<compile_context>
chip_gen: v7x
topology: tpu7x:2x2x1
jax: 0.10.2.dev20260603
libtpu: 0.0.44.dev20260713+nightly
codegen_flags: <defaults>
</compile_context>

<pallas_src>
import functools

import jax
import jax.numpy as jnp
from jax import lax
from jax.experimental import pallas as pl
from jax.experimental.pallas import tpu as pltpu
from jax.experimental.pallas import tpu_sc as plsc

_RADIUS2 = 0.25
_S = 64
_NW = 32


def _sc_ball_group(xyz_flat, q_sc):
    G, N3 = xyz_flat.shape
    N = N3 // 3
    NV = N // 16
    g_per_w = G // _NW
    NP = g_per_w // 2
    mesh = plsc.VectorSubcoreMesh(core_axis_name="c", subcore_axis_name="s")

    @functools.partial(
        pl.kernel,
        mesh=mesh,
        compiler_params=pltpu.CompilerParams(needs_layout_passes=False),
        out_type=jax.ShapeDtypeStruct((_NW, 192 * g_per_w), jnp.float32),
        scratch_types=[
            pltpu.VMEM((N3,), jnp.float32),
            pltpu.VMEM((N3,), jnp.float32),
            pltpu.VMEM((16 * g_per_w,), jnp.float32),
            pltpu.VMEM((_S,), jnp.int32),
            pltpu.VMEM((192 * g_per_w,), jnp.float32),
            pltpu.SemaphoreType.DMA,
            pltpu.SemaphoreType.DMA,
        ],
    )
    def k(xyz_hbm, q_hbm, out_hbm, buf_a, buf_b, qall, idxb, outall,
          sem_a, sem_b):
        wid = lax.axis_index("s") * 2 + lax.axis_index("c")
        iota = lax.iota(jnp.int32, 16)
        zero16 = jnp.zeros((16,), jnp.int32)

        pltpu.sync_copy(q_hbm.at[wid], qall)
        pltpu.async_copy(xyz_hbm.at[wid], buf_a, sem_a)

        def process(gi, pbuf):
            qrow = qall[pl.ds(gi * 16, 16)]
            qx = qrow[0]
            qy = qrow[1]
            qz = qrow[2]
            for kb in range(4):
                idxb[pl.ds(kb * 16, 16)] = zero16

            def cond(c):
                i, cnt = c
                return jnp.logical_and(i < NV, cnt < _S)

            def body(c):
                i, cnt = c
                for u in range(2):
                    base = (i + u) * 16 + iota
                    i3 = base * 3
                    xv = plsc.load_gather(pbuf, [i3])
                    yv = plsc.load_gather(pbuf, [i3 + 1])
                    zv = plsc.load_gather(pbuf, [i3 + 2])
                    dx = xv - qx
                    dy = yv - qy
                    dz = zv - qz
                    d2 = dx * dx + dy * dy + dz * dz
                    m = d2 < _RADIUS2
                    mi = m.astype(jnp.int32)
                    pos = cnt + jnp.cumsum(mi) - 1
                    wm = jnp.logical_and(m, pos < _S)
                    plsc.store_scatter(idxb, [pos], base, mask=wm)
                    cnt = cnt + jnp.sum(mi)
                return i + 2, cnt

            _, cnt = lax.while_loop(cond, body, (jnp.int32(0), jnp.int32(0)))

            first = idxb[pl.ds(0, 16)][0]
            obase = gi * 192
            for kb in range(4):
                cur = idxb[pl.ds(kb * 16, 16)]
                pos = kb * 16 + iota
                sel = jnp.where(pos < cnt, cur, first)
                s3 = sel * 3
                gx = plsc.load_gather(pbuf, [s3]) - qx
                gy = plsc.load_gather(pbuf, [s3 + 1]) - qy
                gz = plsc.load_gather(pbuf, [s3 + 2]) - qz
                outall[pl.ds(obase + kb * 16, 16)] = gx
                outall[pl.ds(obase + 64 + kb * 16, 16)] = gy
                outall[pl.ds(obase + 128 + kb * 16, 16)] = gz

        def per_pair(pi, carry):
            g0 = wid + 64 * pi
            g1 = g0 + 32
            cp_b = pltpu.async_copy(xyz_hbm.at[g1], buf_b, sem_b)
            pltpu.make_async_copy(xyz_hbm.at[g0], buf_a, sem_a).wait()
            process(2 * pi, buf_a)

            @pl.when(pi < NP - 1)
            def _():
                pltpu.async_copy(xyz_hbm.at[g0 + 64], buf_a, sem_a)

            cp_b.wait()
            process(2 * pi + 1, buf_b)
            return carry

        lax.fori_loop(0, NP, per_pair, jnp.int32(0))
        pltpu.sync_copy(outall, out_hbm.at[wid])

    return k(xyz_flat, q_sc)


def _safe_norm_t(x, axis=-1):
    s = jnp.sum(x * x, axis=axis)
    safe = jnp.where(s > 0, s, 1.0)
    return jnp.where(s > 0, jnp.sqrt(safe), 0.0)


def kernel(pcl_coord, joint_coord):
    B, J, N, _ = pcl_coord.shape
    G = B * J
    g_per_w = G // _NW
    xyz_flat = pcl_coord.reshape(G, N * 3)
    q = joint_coord.reshape(G, 3)
    q_pad = jnp.concatenate([q, jnp.zeros((G, 13), jnp.float32)], axis=1)
    q_sc = jnp.transpose(q_pad.reshape(g_per_w, _NW, 16), (1, 0, 2))
    q_sc = q_sc.reshape(_NW, 16 * g_per_w)

    flat = _sc_ball_group(xyz_flat, q_sc)
    flat = flat.reshape(_NW, g_per_w, 192)
    flat = jnp.transpose(flat, (1, 0, 2)).reshape(G, 192)
    grouped = jnp.transpose(flat.reshape(G, 3, _S), (0, 2, 1))

    v1 = grouped[:, :, None, :] - grouped[:, None, :, :]
    v2 = -v1
    s1 = jnp.sum(v1 * v1, axis=-1)
    v1_norm = jnp.where(s1 > 0, jnp.sqrt(jnp.where(s1 > 0, s1, 1.0)), 0.0)
    den = v1_norm * v1_norm + 1e-06
    cos_angle = (-s1) / den
    sin_angle = _safe_norm_t(jnp.cross(v1, v2), axis=-1) / den
    cot_alpha = cos_angle / (sin_angle + 1e-06)
    laplacian = jnp.sum(v1 * cot_alpha[..., None] / 2, axis=(1, 2))
    curvature_dir = laplacian
    curvature_magnitude = _safe_norm_t(curvature_dir, axis=-1)[..., None]
    curvature_dir_normalized = curvature_dir / (curvature_magnitude + 1e-06)
    curvature_dir_normalized = curvature_dir_normalized.reshape(B, J, 3)
    curvature_magnitude = curvature_magnitude.reshape(B, J)[..., None]
    curvature_vector = curvature_dir_normalized * curvature_magnitude
    return curvature_vector

# --- scband reference (transcript-rebuilt; emitter-appended) ---
"""Pipeline reference for scband-curvature-calculator-21045339750418 (READ-ONLY COPY).

The authoritative reference and input builder live on the scoring server;
editing this copy changes nothing except your own understanding.
"""

import jax, jax.numpy as jnp
import numpy as np

RADIUS = 0.5
NSAMPLE = 64


def _safe_norm(x, axis=-1):
    s = jnp.sum(x * x, axis=axis)
    safe = jnp.where(s > 0, s, 1.0)
    return jnp.where(s > 0, jnp.sqrt(safe), 0.0)


def _ball_group(xyz, q):
    # xyz: (N, 3), q: (3,) -> grouped relative coords (NSAMPLE, 3)
    # Faithful to pointnet2 ball_query: first NSAMPLE points (in index order)
    # with squared distance < radius^2; if fewer found, the first found index
    # is duplicated; if none found, index 0 is used (zero-initialized idx).
    N = xyz.shape[0]
    d2 = jnp.sum((xyz - q[None, :]) ** 2, axis=-1)
    mask = d2 < RADIUS ** 2
    keys = jnp.where(mask, jnp.arange(N), N)
    order = jnp.argsort(keys)  # stable: in-ball indices ascending, then rest
    cnt = jnp.sum(mask)
    idx = jnp.where(jnp.arange(NSAMPLE) < cnt, order[:NSAMPLE], order[0])
    grouped = jnp.take(xyz, idx, axis=0) - q[None, :]
    return grouped


def reference(pcl_coord, joint_coord):
    B, J, N, _ = pcl_coord.shape
    xyz = pcl_coord.reshape(B * J, N, 3)
    q = joint_coord.reshape(B * J, 3)
    grouped = jax.vmap(_ball_group)(xyz, q)  # (B*J, NSAMPLE, 3)

    v1 = grouped[:, :, None, :] - grouped[:, None, :, :]  # (BJ, S, S, 3)
    v2 = jnp.swapaxes(v1, 1, 2)
    dot_product = jnp.sum(v1 * v2, axis=-1)
    v1_norm = _safe_norm(v1, axis=-1)
    v2_norm = _safe_norm(v2, axis=-1)
    cos_angle = dot_product / (v1_norm * v2_norm + 1e-06)
    sin_angle = _safe_norm(jnp.cross(v1, v2), axis=-1) / (v1_norm * v2_norm + 1e-06)
    cot_alpha = cos_angle / (sin_angle + 1e-06)
    laplacian = jnp.sum(v1 * cot_alpha[..., None] / 2, axis=(1, 2))  # (BJ, 3)
    curvature_dir = laplacian
    curvature_magnitude = _safe_norm(curvature_dir, axis=-1)[..., None]
    curvature_dir_normalized = curvature_dir / (curvature_magnitude + 1e-06)
    curvature_dir_normalized = curvature_dir_normalized.reshape(B, J, 3)
    curvature_magnitude = curvature_magnitude.reshape(B, J)[..., None]
    curvature_vector = curvature_dir_normalized * curvature_magnitude
    return curvature_vector


def setup_inputs(seed: int = 0) -> dict:
    key = jax.random.key(seed)
    k1, k2 = jax.random.split(key)
    pcl_coord = jax.random.normal(k1, (16, 24, 8192, 3), dtype=jnp.float32)
    joint_coord = jax.random.normal(k2, (16, 24, 3), dtype=jnp.float32)
    return {"pcl_coord": pcl_coord, "joint_coord": joint_coord}

if __name__ == "__main__":
    import jax
    _d = setup_inputs()
    print(jax.jit(kernel)(*tuple(_d.values())))

</pallas_src>

<mosaic_0001>
#map = affine_map<(d0, d1) -> (0, 0)>
module attributes {stable_mosaic.version = 14 : i64} {
  func.func @k(%arg0: i32, %arg1: i32, %arg2: memref<384x24576xf32, #tpu.memory_space<hbm>>, %arg3: memref<32x192xf32, #tpu.memory_space<hbm>>, %arg4: memref<32x2304xf32, #tpu.memory_space<hbm>>, %arg5: memref<24576xf32, #tpu.memory_space<vmem>>, %arg6: memref<24576xf32, #tpu.memory_space<vmem>>, %arg7: memref<192xf32, #tpu.memory_space<vmem>>, %arg8: memref<64xi32, #tpu.memory_space<vmem>>, %arg9: memref<2304xf32, #tpu.memory_space<vmem>>, %arg10: memref<!tpu.dma_semaphore, #tpu.memory_space<semaphore_mem>>, %arg11: memref<!tpu.dma_semaphore, #tpu.memory_space<semaphore_mem>>) attributes {dimension_semantics = [#tpu.dimension_semantics<core_parallel>, #tpu.dimension_semantics<subcore_parallel>], iteration_bounds = array<i64: 2, 16>, scalar_prefetch = 0 : i64, scratch_operands = 7 : i64, tpu.core_type = #tpu.core_type<sc_vector_subcore>, window_params = [{transform_indices = #map}, {transform_indices = #map}, {transform_indices = #map}]} {
    %mul3A = arith.constant 2 : i32
    %mul3A_0 = arith.muli %arg1, %mul3A : i32
    %add3A = arith.addi %mul3A_0, %arg0 : i32
    %iota3A = tpu.iota {dimensions = array<i32: 0>} : vector<16xi32>
    %broadcast_in_dim3A = arith.constant 0 : i32
    %broadcast_in_dim3A_1 = vector.broadcast %broadcast_in_dim3A : i32 to vector<16xi32>
    "tpu.region"() ({
      %run_scoped3A = tpu.sem_alloc : memref<!tpu.dma_semaphore, #tpu.memory_space<semaphore_mem>>
      %dma_start3A_12 = arith.constant 0 : i32
      %dma_start3A_13 = tpu.memref_slice %arg3[%add3A, %dma_start3A_12] : memref<32x192xf32, #tpu.memory_space<hbm>> -> memref<1x192xf32, #tpu.memory_space<hbm>>
      %dma_start3A_14 = tpu.memref_squeeze %dma_start3A_13 : memref<1x192xf32, #tpu.memory_space<hbm>> -> memref<192xf32, #tpu.memory_space<hbm>>
      %dma_start3A_15 = arith.constant 0 : i32
      %dma_start3A_16 = tpu.memref_slice %arg3[%add3A, %dma_start3A_15] : memref<32x192xf32, #tpu.memory_space<hbm>> -> memref<1x192xf32, #tpu.memory_space<hbm>>
      %dma_start3A_17 = tpu.memref_squeeze %dma_start3A_16 : memref<1x192xf32, #tpu.memory_space<hbm>> -> memref<192xf32, #tpu.memory_space<hbm>>
      tpu.enqueue_dma source(%dma_start3A_17 : memref<192xf32, #tpu.memory_space<hbm>>) target(%arg7 : memref<192xf32, #tpu.memory_space<vmem>>) target_semaphore(%run_scoped3A : memref<!tpu.dma_semaphore, #tpu.memory_space<semaphore_mem>>)
      %dma_wait3A = arith.constant 0 : i32
      %dma_wait3A_18 = tpu.memref_slice %arg3[%add3A, %dma_wait3A] : memref<32x192xf32, #tpu.memory_space<hbm>> -> memref<1x192xf32, #tpu.memory_space<hbm>>
      %dma_wait3A_19 = tpu.memref_squeeze %dma_wait3A_18 : memref<1x192xf32, #tpu.memory_space<hbm>> -> memref<192xf32, #tpu.memory_space<hbm>>
      %dma_wait3A_20 = arith.constant 0 : i32
      %dma_wait3A_21 = tpu.memref_slice %arg3[%add3A, %dma_wait3A_20] : memref<32x192xf32, #tpu.memory_space<hbm>> -> memref<1x192xf32, #tpu.memory_space<hbm>>
      %dma_wait3A_22 = tpu.memref_squeeze %dma_wait3A_21 : memref<1x192xf32, #tpu.memory_space<hbm>> -> memref<192xf32, #tpu.memory_space<hbm>>
      tpu.wait_dma2 semaphore(%run_scoped3A : memref<!tpu.dma_semaphore, #tpu.memory_space<semaphore_mem>>) src(%dma_wait3A_22 : memref<192xf32, #tpu.memory_space<hbm>>) dst(%arg7 : memref<192xf32, #tpu.memory_space<vmem>>)
      tpu.yield
    }) : () -> ()
    %dma_start3A = arith.constant 0 : i32
    %dma_start3A_2 = tpu.memref_slice %arg2[%add3A, %dma_start3A] : memref<384x24576xf32, #tpu.memory_space<hbm>> -> memref<1x24576xf32, #tpu.memory_space<hbm>>
    %dma_start3A_3 = tpu.memref_squeeze %dma_start3A_2 : memref<1x24576xf32, #tpu.memory_space<hbm>> -> memref<24576xf32, #tpu.memory_space<hbm>>
    %dma_start3A_4 = arith.constant 0 : i32
    %dma_start3A_5 = tpu.memref_slice %arg2[%add3A, %dma_start3A_4] : memref<384x24576xf32, #tpu.memory_space<hbm>> -> memref<1x24576xf32, #tpu.memory_space<hbm>>
    %dma_start3A_6 = tpu.memref_squeeze %dma_start3A_5 : memref<1x24576xf32, #tpu.memory_space<hbm>> -> memref<24576xf32, #tpu.memory_space<hbm>>
    tpu.enqueue_dma source(%dma_start3A_6 : memref<24576xf32, #tpu.memory_space<hbm>>) target(%arg5 : memref<24576xf32, #tpu.memory_space<vmem>>) target_semaphore(%arg10 : memref<!tpu.dma_semaphore, #tpu.memory_space<semaphore_mem>>)
    %scan3A = arith.constant 0 : i32
    %scan3A_7 = arith.constant 0 : i32
    %scan3A_8 = arith.constant 6 : i32
    %scan3A_9 = arith.addi %scan3A_7, %scan3A_8 : i32
    %scan3A_10 = arith.constant 1 : i32
    scf.for %scan3A_12 = %scan3A_7 to %scan3A_9 step %scan3A_10  : i32 {
      %mul3A_13 = arith.constant 64 : i32
      %mul3A_14 = arith.muli %mul3A_13, %scan3A_12 : i32
      %add3A_15 = arith.addi %add3A, %mul3A_14 : i32
      %add3A_16 = arith.constant 32 : i32
      %add3A_17 = arith.addi %add3A_15, %add3A_16 : i32
      %dma_start3A_18 = arith.constant 0 : i32
      %dma_start3A_19 = tpu.memref_slice %arg2[%add3A_17, %dma_start3A_18] : memref<384x24576xf32, #tpu.memory_space<hbm>> -> memref<1x24576xf32, #tpu.memory_space<hbm>>
      %dma_start3A_20 = tpu.memref_squeeze %dma_start3A_19 : memref<1x24576xf32, #tpu.memory_space<hbm>> -> memref<24576xf32, #tpu.memory_space<hbm>>
      %dma_start3A_21 = arith.constant 0 : i32
      %dma_start3A_22 = tpu.memref_slice %arg2[%add3A_17, %dma_start3A_21] : memref<384x24576xf32, #tpu.memory_space<hbm>> -> memref<1x24576xf32, #tpu.memory_space<hbm>>
      %dma_start3A_23 = tpu.memref_squeeze %dma_start3A_22 : memref<1x24576xf32, #tpu.memory_space<hbm>> -> memref<24576xf32, #tpu.memory_space<hbm>>
      tpu.enqueue_dma source(%dma_start3A_23 : memref<24576xf32, #tpu.memory_space<hbm>>) target(%arg6 : memref<24576xf32, #tpu.memory_space<vmem>>) target_semaphore(%arg11 : memref<!tpu.dma_semaphore, #tpu.memory_space<semaphore_mem>>)
      %dma_wait3A = arith.constant 0 : i32
      %dma_wait3A_24 = tpu.memref_slice %arg2[%add3A_15, %dma_wait3A] : memref<384x24576xf32, #tpu.memory_space<hbm>> -> memref<1x24576xf32, #tpu.memory_space<hbm>>
      %dma_wait3A_25 = tpu.memref_squeeze %dma_wait3A_24 : memref<1x24576xf32, #tpu.memory_space<hbm>> -> memref<24576xf32, #tpu.memory_space<hbm>>
      %dma_wait3A_26 = arith.constant 0 : i32
      %dma_wait3A_27 = tpu.memref_slice %arg2[%add3A_15, %dma_wait3A_26] : memref<384x24576xf32, #tpu.memory_space<hbm>> -> memref<1x24576xf32, #tpu.memory_space<hbm>>
      %dma_wait3A_28 = tpu.memref_squeeze %dma_wait3A_27 : memref<1x24576xf32, #tpu.memory_space<hbm>> -> memref<24576xf32, #tpu.memory_space<hbm>>
      tpu.wait_dma2 semaphore(%arg10 : memref<!tpu.dma_semaphore, #tpu.memory_space<semaphore_mem>>) src(%dma_wait3A_28 : memref<24576xf32, #tpu.memory_space<hbm>>) dst(%arg5 : memref<24576xf32, #tpu.memory_space<vmem>>)
      %mul3A_29 = arith.constant 2 : i32
      %mul3A_30 = arith.muli %mul3A_29, %scan3A_12 : i32
      %mul3A_31 = arith.constant 16 : i32
      %mul3A_32 = arith.muli %mul3A_30, %mul3A_31 : i32
      %get3A = arith.index_cast %mul3A_32 : i32 to index
      %get3A_33 = tpu.vector_load %arg7[%get3A] {strides = array<i32>} : memref<192xf32, #tpu.memory_space<vmem>>, vector<16xf32>,
      %slice3A = vector.extract_strided_slice %get3A_33 {offsets = [0], sizes = [1], strides = [1]} : vector<16xf32> to vector<1xf32>
      %squeeze3A = vector.extract %slice3A[0] : f32 from vector<1xf32>
      %slice3A_34 = vector.extract_strided_slice %get3A_33 {offsets = [1], sizes = [1], strides = [1]} : vector<16xf32> to vector<1xf32>
      %squeeze3A_35 = vector.extract %slice3A_34[0] : f32 from vector<1xf32>
      %slice3A_36 = vector.extract_strided_slice %get3A_33 {offsets = [2], sizes = [1], strides = [1]} : vector<16xf32> to vector<1xf32>
      %squeeze3A_37 = vector.extract %slice3A_36[0] : f32 from vector<1xf32>
      %swap3A = arith.constant 0 : index
      %swap3A_38 = tpu.vector_load %arg8[%swap3A] {strides = array<i32>} : memref<64xi32, #tpu.memory_space<vmem>>, vector<16xi32>,
      tpu.vector_store %arg8[%swap3A], %broadcast_in_dim3A_1 {strides = array<i32>} : memref<64xi32, #tpu.memory_space<vmem>>, vector<16xi32>,
      %swap3A_39 = arith.constant 16 : index
      %swap3A_40 = tpu.vector_load %arg8[%swap3A_39] {strides = array<i32>} : memref<64xi32, #tpu.memory_space<vmem>>, vector<16xi32>,
      tpu.vector_store %arg8[%swap3A_39], %broadcast_in_dim3A_1 {strides = array<i32>} : memref<64xi32, #tpu.memory_space<vmem>>, vector<16xi32>,
      %swap3A_41 = arith.constant 32 : index
      %swap3A_42 = tpu.vector_load %arg8[%swap3A_41] {strides = array<i32>} : memref<64xi32, #tpu.memory_space<vmem>>, vector<16xi32>,
      tpu.vector_store %arg8[%swap3A_41], %broadcast_in_dim3A_1 {strides = array<i32>} : memref<64xi32, #tpu.memory_space<vmem>>, vector<16xi32>,
      %swap3A_43 = arith.constant 48 : index
      %swap3A_44 = tpu.vector_load %arg8[%swap3A_43] {strides = array<i32>} : memref<64xi32, #tpu.memory_space<vmem>>, vector<16xi32>,
      tpu.vector_store %arg8[%swap3A_43], %broadcast_in_dim3A_1 {strides = array<i32>} : memref<64xi32, #tpu.memory_space<vmem>>, vector<16xi32>,
      %while3A = arith.constant 0 : i32
      %while3A_45 = arith.constant 0 : i32
      %while3A_46:2 = scf.while (%while3A_433 = %while3A, %while3A_434 = %while3A_45) : (i32, i32) -> (i32, i32) {
        %lt3A_435 = arith.constant 512 : i32
        %lt3A_436 = arith.cmpi slt, %while3A_433, %lt3A_435 : i32
        %lt3A_437 = arith.constant 64 : i32
        %lt3A_438 = arith.cmpi slt, %while3A_434, %lt3A_437 : i32
        %and3A = arith.andi %lt3A_436, %lt3A_438 : i1
        scf.condition(%and3A) %while3A_433, %while3A_434 : i32, i32
      } do {
      ^bb0(%while3A_433: i32, %while3A_434: i32):
        %add3A_435 = arith.constant 0 : i32
        %add3A_436 = arith.addi %while3A_433, %add3A_435 : i32
        %mul3A_437 = arith.constant 16 : i32
        %mul3A_438 = arith.muli %add3A_436, %mul3A_437 : i32
        %add3A_439 = vector.broadcast %mul3A_438 : i32 to vector<16xi32>
        %add3A_440 = arith.addi %add3A_439, %iota3A : vector<16xi32>
        %mul3A_441 = arith.constant 3 : i32
        %mul3A_442 = vector.broadcast %mul3A_441 : i32 to vector<16xi32>
        %mul3A_443 = arith.muli %add3A_440, %mul3A_442 : vector<16xi32>
        %gather3A_444 = tpu.vector_load_idx %arg5[%mul3A_443] : memref<24576xf32, #tpu.memory_space<vmem>>[vector<16xi32>], vector<16xf32>,
        %add3A_445 = arith.constant 1 : i32
        %add3A_446 = vector.broadcast %add3A_445 : i32 to vector<16xi32>
        %add3A_447 = arith.addi %mul3A_443, %add3A_446 : vector<16xi32>
        %gather3A_448 = tpu.vector_load_idx %arg5[%add3A_447] : memref<24576xf32, #tpu.memory_space<vmem>>[vector<16xi32>], vector<16xf32>,
        %add3A_449 = arith.constant 2 : i32
        %add3A_450 = vector.broadcast %add3A_449 : i32 to vector<16xi32>
        %add3A_451 = arith.addi %mul3A_443, %add3A_450 : vector<16xi32>
        %gather3A_452 = tpu.vector_load_idx %arg5[%add3A_451] : memref<24576xf32, #tpu.memory_space<vmem>>[vector<16xi32>], vector<16xf32>,
        %sub3A_453 = vector.broadcast %squeeze3A : f32 to vector<16xf32>
        %sub3A_454 = arith.subf %gather3A_444, %sub3A_453 : vector<16xf32>
        %sub3A_455 = vector.broadcast %squeeze3A_35 : f32 to vector<16xf32>
        %sub3A_456 = arith.subf %gather3A_448, %sub3A_455 : vector<16xf32>
        %sub3A_457 = vector.broadcast %squeeze3A_37 : f32 to vector<16xf32>
        %sub3A_458 = arith.subf %gather3A_452, %sub3A_457 : vector<16xf32>
        %mul3A_459 = arith.mulf %sub3A_454, %sub3A_454 : vector<16xf32>
        %mul3A_460 = arith.mulf %sub3A_456, %sub3A_456 : vector<16xf32>
        %add3A_461 = arith.addf %mul3A_459, %mul3A_460 : vector<16xf32>
        %mul3A_462 = arith.mulf %sub3A_458, %sub3A_458 : vector<16xf32>
        %add3A_463 = arith.addf %add3A_461, %mul3A_462 : vector<16xf32>
        %lt3A_464 = arith.constant 2.500000e-01 : f32
        %lt3A_465 = vector.broadcast %lt3A_464 : f32 to vector<16xf32>
        %lt3A_466 = arith.cmpf olt, %add3A_463, %lt3A_465 : vector<16xf32>
        %convert_element_type3A_467 = arith.extui %lt3A_466 : vector<16xi1> to vector<16xi32>
        %cumsum3A = arith.constant true
        %cumsum3A_468 = vector.broadcast %cumsum3A : i1 to vector<16xi1>
        %cumsum3A_469 = tpu.scan <sum>, %convert_element_type3A_467 masked %cumsum3A_468 : vector<16xi32>, vector<16xi1> -> vector<16xi32>
        %add3A_470 = vector.broadcast %while3A_434 : i32 to vector<16xi32>
        %add3A_471 = arith.addi %add3A_470, %cumsum3A_469 : vector<16xi32>
        %sub3A_472 = arith.constant 1 : i32
        %sub3A_473 = vector.broadcast %sub3A_472 : i32 to vector<16xi32>
        %sub3A_474 = arith.subi %add3A_471, %sub3A_473 : vector<16xi32>
        %lt3A_475 = arith.constant 64 : i32
        %lt3A_476 = vector.broadcast %lt3A_475 : i32 to vector<16xi32>
        %lt3A_477 = arith.cmpi slt, %sub3A_474, %lt3A_476 : vector<16xi32>
        %and3A = arith.andi %lt3A_466, %lt3A_477 : vector<16xi1>
        tpu.vector_store_idx %arg8[%sub3A_474], %add3A_440 masked %and3A : memref<64xi32, #tpu.memory_space<vmem>>[vector<16xi32>], vector<16xi32>, vector<16xi1>
        %reduce_sum3A = arith.constant true
        %reduce_sum3A_478 = vector.broadcast %reduce_sum3A : i1 to vector<16xi1>
        %reduce_sum3A_479 = tpu.scan <sum>, %convert_element_type3A_467 masked %reduce_sum3A_478 : vector<16xi32>, vector<16xi1> -> vector<16xi32>
        %reduce_sum3A_480 = vector.extract %reduce_sum3A_479[15] : i32 from vector<16xi32>
        %add3A_481 = arith.addi %while3A_434, %reduce_sum3A_480 : i32
        %add3A_482 = arith.constant 1 : i32
        %add3A_483 = arith.addi %while3A_433, %add3A_482 : i32
        %mul3A_484 = arith.constant 16 : i32
        %mul3A_485 = arith.muli %add3A_483, %mul3A_484 : i32
        %add3A_486 = vector.broadcast %mul3A_485 : i32 to vector<16xi32>
        %add3A_487 = arith.addi %add3A_486, %iota3A : vector<16xi32>
        %mul3A_488 = arith.constant 3 : i32
        %mul3A_489 = vector.broadcast %mul3A_488 : i32 to vector<16xi32>
        %mul3A_490 = arith.muli %add3A_487, %mul3A_489 : vector<16xi32>
        %gather3A_491 = tpu.vector_load_idx %arg5[%mul3A_490] : memref<24576xf32, #tpu.memory_space<vmem>>[vector<16xi32>], vector<16xf32>,
        %add3A_492 = arith.constant 1 : i32
        %add3A_493 = vector.broadcast %add3A_492 : i32 to vector<16xi32>
        %add3A_494 = arith.addi %mul3A_490, %add3A_493 : vector<16xi32>
        %gather3A_495 = tpu.vector_load_idx %arg5[%add3A_494] : memref<24576xf32, #tpu.memory_space<vmem>>[vector<16xi32>], vector<16xf32>,
        %add3A_496 = arith.constant 2 : i32
        %add3A_497 = vector.broadcast %add3A_496 : i32 to vector<16xi32>
        %add3A_498 = arith.addi %mul3A_490, %add3A_497 : vector<16xi32>
        %gather3A_499 = tpu.vector_load_idx %arg5[%add3A_498] : memref<24576xf32, #tpu.memory_space<vmem>>[vector<16xi32>], vector<16xf32>,
        %sub3A_500 = vector.broadcast %squeeze3A : f32 to vector<16xf32>
        %sub3A_501 = arith.subf %gather3A_491, %sub3A_500 : vector<16xf32>
        %sub3A_502 = vector.broadcast %squeeze3A_35 : f32 to vector<16xf32>
        %sub3A_503 = arith.subf %gather3A_495, %sub3A_502 : vector<16xf32>
        %sub3A_504 = vector.broadcast %squeeze3A_37 : f32 to vector<16xf32>
        %sub3A_505 = arith.subf %gather3A_499, %sub3A_504 : vector<16xf32>
        %mul3A_506 = arith.mulf %sub3A_501, %sub3A_501 : vector<16xf32>
        %mul3A_507 = arith.mulf %sub3A_503, %sub3A_503 : vector<16xf32>
        %add3A_508 = arith.addf %mul3A_506, %mul3A_507 : vector<16xf32>
        %mul3A_509 = arith.mulf %sub3A_505, %sub3A_505 : vector<16xf32>
        %add3A_510 = arith.addf %add3A_508, %mul3A_509 : vector<16xf32>
        %lt3A_511 = arith.constant 2.500000e-01 : f32
        %lt3A_512 = vector.broadcast %lt3A_511 : f32 to vector<16xf32>
        %lt3A_513 = arith.cmpf olt, %add3A_510, %lt3A_512 : vector<16xf32>
        %convert_element_type3A_514 = arith.extui %lt3A_513 : vector<16xi1> to vector<16xi32>
        %cumsum3A_515 = arith.constant true
        %cumsum3A_516 = vector.broadcast %cumsum3A_515 : i1 to vector<16xi1>
        %cumsum3A_517 = tpu.scan <sum>, %convert_element_type3A_514 masked %cumsum3A_516 : vector<16xi32>, vector<16xi1> -> vector<16xi32>
        %add3A_518 = vector.broadcast %add3A_481 : i32 to vector<16xi32>
        %add3A_519 = arith.addi %add3A_518, %cumsum3A_517 : vector<16xi32>
        %sub3A_520 = arith.constant 1 : i32
        %sub3A_521 = vector.broadcast %sub3A_520 : i32 to vector<16xi32>
        %sub3A_522 = arith.subi %add3A_519, %sub3A_521 : vector<16xi32>
        %lt3A_523 = arith.constant 64 : i32
        %lt3A_524 = vector.broadcast %lt3A_523 : i32 to vector<16xi32>
        %lt3A_525 = arith.cmpi slt, %sub3A_522, %lt3A_524 : vector<16xi32>
        %and3A_526 = arith.andi %lt3A_513, %lt3A_525 : vector<16xi1>
        tpu.vector_store_idx %arg8[%sub3A_522], %add3A_487 masked %and3A_526 : memref<64xi32, #tpu.memory_space<vmem>>[vector<16xi32>], vector<16xi32>, vector<16xi1>
        %reduce_sum3A_527 = arith.constant true
        %reduce_sum3A_528 = vector.broadcast %reduce_sum3A_527 : i1 to vector<16xi1>
        %reduce_sum3A_529 = tpu.scan <sum>, %convert_element_type3A_514 masked %reduce_sum3A_528 : vector<16xi32>, vector<16xi1> -> vector<16xi32>
        %reduce_sum3A_530 = vector.extract %reduce_sum3A_529[15] : i32 from vector<16xi32>
        %add3A_531 = arith.addi %add3A_481, %reduce_sum3A_530 : i32
        %add3A_532 = arith.constant 2 : i32
        %add3A_533 = arith.addi %while3A_433, %add3A_532 : i32
        scf.yield %add3A_533, %add3A_531 : i32, i32
      }
      %get3A_47 = arith.constant 0 : index
      %get3A_48 = tpu.vector_load %arg8[%get3A_47] {strides = array<i32>} : memref<64xi32, #tpu.memory_space<vmem>>, vector<16xi32>,
      %slice3A_49 = vector.extract_strided_slice %get3A_48 {offsets = [0], sizes = [1], strides = [1]} : vector<16xi32> to vector<1xi32>
      %squeeze3A_50 = vector.extract %slice3A_49[0] : i32 from vector<1xi32>
      %mul3A_51 = arith.constant 192 : i32
      %mul3A_52 = arith.muli %mul3A_30, %mul3A_51 : i32
      %get3A_53 = arith.constant 0 : index
      %get3A_54 = tpu.vector_load %arg8[%get3A_53] {strides = array<i32>} : memref<64xi32, #tpu.memory_space<vmem>>, vector<16xi32>,
      %add3A_55 = arith.constant 0 : i32
      %add3A_56 = vector.broadcast %add3A_55 : i32 to vector<16xi32>
      %add3A_57 = arith.addi %add3A_56, %iota3A : vector<16xi32>
      %lt3A = vector.broadcast %while3A_46#1 : i32 to vector<16xi32>
      %lt3A_58 = arith.cmpi slt, %add3A_57, %lt3A : vector<16xi32>
      %broadcast_in_dim3A_59 = vector.broadcast %squeeze3A_50 : i32 to vector<16xi32>
      %select_n3A = arith.select %lt3A_58, %get3A_54, %broadcast_in_dim3A_59 : vector<16xi1>, vector<16xi32>
      %mul3A_60 = arith.constant 3 : i32
      %mul3A_61 = vector.broadcast %mul3A_60 : i32 to vector<16xi32>
      %mul3A_62 = arith.muli %select_n3A, %mul3A_61 : vector<16xi32>
      %gather3A = tpu.vector_load_idx %arg5[%mul3A_62] : memref<24576xf32, #tpu.memory_space<vmem>>[vector<16xi32>], vector<16xf32>,
      %sub3A = vector.broadcast %squeeze3A : f32 to vector<16xf32>
      %sub3A_63 = arith.subf %gather3A, %sub3A : vector<16xf32>
      %add3A_64 = arith.constant 1 : i32
      %add3A_65 = vector.broadcast %add3A_64 : i32 to vector<16xi32>
      %add3A_66 = arith.addi %mul3A_62, %add3A_65 : vector<16xi32>
      %gather3A_67 = tpu.vector_load_idx %arg5[%add3A_66] : memref<24576xf32, #tpu.memory_space<vmem>>[vector<16xi32>], vector<16xf32>,
      %sub3A_68 = vector.broadcast %squeeze3A_35 : f32 to vector<16xf32>
      %sub3A_69 = arith.subf %gather3A_67, %sub3A_68 : vector<16xf32>
      %add3A_70 = arith.constant 2 : i32
      %add3A_71 = vector.broadcast %add3A_70 : i32 to vector<16xi32>
      %add3A_72 = arith.addi %mul3A_62, %add3A_71 : vector<16xi32>
      %gather3A_73 = tpu.vector_load_idx %arg5[%add3A_72] : memref<24576xf32, #tpu.memory_space<vmem>>[vector<16xi32>], vector<16xf32>,
      %sub3A_74 = vector.broadcast %squeeze3A_37 : f32 to vector<16xf32>
      %sub3A_75 = arith.subf %gather3A_73, %sub3A_74 : vector<16xf32>
      %add3A_76 = arith.constant 0 : i32
      %add3A_77 = arith.addi %mul3A_52, %add3A_76 : i32
      %swap3A_78 = arith.index_cast %add3A_77 : i32 to index
      %swap3A_79 = tpu.vector_load %arg9[%swap3A_78] {strides = array<i32>} : memref<2304xf32, #tpu.memory_space<vmem>>, vector<16xf32>,
      tpu.vector_store %arg9[%swap3A_78], %sub3A_63 {strides = array<i32>} : memref<2304xf32, #tpu.memory_space<vmem>>, vector<16xf32>,
      %add3A_80 = arith.constant 64 : i32
      %add3A_81 = arith.addi %mul3A_52, %add3A_80 : i32
      %add3A_82 = arith.constant 0 : i32
      %add3A_83 = arith.addi %add3A_81, %add3A_82 : i32
      %swap3A_84 = arith.index_cast %add3A_83 : i32 to index
      %swap3A_85 = tpu.vector_load %arg9[%swap3A_84] {strides = array<i32>} : memref<2304xf32, #tpu.memory_space<vmem>>, vector<16xf32>,
      tpu.vector_store %arg9[%swap3A_84], %sub3A_69 {strides = array<i32>} : memref<2304xf32, #tpu.memory_space<vmem>>, vector<16xf32>,
      %add3A_86 = arith.constant 128 : i32
      %add3A_87 = arith.addi %mul3A_52, %add3A_86 : i32
      %add3A_88 = arith.constant 0 : i32
      %add3A_89 = arith.addi %add3A_87, %add3A_88 : i32
      %swap3A_90 = arith.index_cast %add3A_89 : i32 to index
      %swap3A_91 = tpu.vector_load %arg9[%swap3A_90] {strides = array<i32>} : memref<2304xf32, #tpu.memory_space<vmem>>, vector<16xf32>,
      tpu.vector_store %arg9[%swap3A_90], %sub3A_75 {strides = array<i32>} : memref<2304xf32, #tpu.memory_space<vmem>>, vector<16xf32>,
      %get3A_92 = arith.constant 16 : index
      %get3A_93 = tpu.vector_load %arg8[%get3A_92] {strides = array<i32>} : memref<64xi32, #tpu.memory_space<vmem>>, vector<16xi32>,
      %add3A_94 = arith.constant 16 : i32
      %add3A_95 = vector.broadcast %add3A_94 : i32 to vector<16xi32>
      %add3A_96 = arith.addi %add3A_95, %iota3A : vector<16xi32>
      %lt3A_97 = vector.broadcast %while3A_46#1 : i32 to vector<16xi32>
      %lt3A_98 = arith.cmpi slt, %add3A_96, %lt3A_97 : vector<16xi32>
      %broadcast_in_dim3A_99 = vector.broadcast %squeeze3A_50 : i32 to vector<16xi32>
      %select_n3A_100 = arith.select %lt3A_98, %get3A_93, %broadcast_in_dim3A_99 : vector<16xi1>, vector<16xi32>
      %mul3A_101 = arith.constant 3 : i32
      %mul3A_102 = vector.broadcast %mul3A_101 : i32 to vector<16xi32>
      %mul3A_103 = arith.muli %select_n3A_100, %mul3A_102 : vector<16xi32>
      %gather3A_104 = tpu.vector_load_idx %arg5[%mul3A_103] : memref<24576xf32, #tpu.memory_space<vmem>>[vector<16xi32>], vector<16xf32>,
      %sub3A_105 = vector.broadcast %squeeze3A : f32 to vector<16xf32>
      %sub3A_106 = arith.subf %gather3A_104, %sub3A_105 : vector<16xf32>
      %add3A_107 = arith.constant 1 : i32
      %add3A_108 = vector.broadcast %add3A_107 : i32 to vector<16xi32>
      %add3A_109 = arith.addi %mul3A_103, %add3A_108 : vector<16xi32>
      %gather3A_110 = tpu.vector_load_idx %arg5[%add3A_109] : memref<24576xf32, #tpu.memory_space<vmem>>[vector<16xi32>], vector<16xf32>,
      %sub3A_111 = vector.broadcast %squeeze3A_35 : f32 to vector<16xf32>
      %sub3A_112 = arith.subf %gather3A_110, %sub3A_111 : vector<16xf32>
      %add3A_113 = arith.constant 2 : i32
      %add3A_114 = vector.broadcast %add3A_113 : i32 to vector<16xi32>
      %add3A_115 = arith.addi %mul3A_103, %add3A_114 : vector<16xi32>
      %gather3A_116 = tpu.vector_load_idx %arg5[%add3A_115] : memref<24576xf32, #tpu.memory_space<vmem>>[vector<16xi32>], vector<16xf32>,
      %sub3A_117 = vector.broadcast %squeeze3A_37 : f32 to vector<16xf32>
      %sub3A_118 = arith.subf %gather3A_116, %sub3A_117 : vector<16xf32>
      %add3A_119 = arith.constant 16 : i32
      %add3A_120 = arith.addi %mul3A_52, %add3A_119 : i32
      %swap3A_121 = arith.index_cast %add3A_120 : i32 to index
      %swap3A_122 = tpu.vector_load %arg9[%swap3A_121] {strides = array<i32>} : memref<2304xf32, #tpu.memory_space<vmem>>, vector<16xf32>,
      tpu.vector_store %arg9[%swap3A_121], %sub3A_106 {strides = array<i32>} : memref<2304xf32, #tpu.memory_space<vmem>>, vector<16xf32>,
      %add3A_123 = arith.constant 64 : i32
      %add3A_124 = arith.addi %mul3A_52, %add3A_123 : i32
      %add3A_125 = arith.constant 16 : i32
      %add3A_126 = arith.addi %add3A_124, %add3A_125 : i32
      %swap3A_127 = arith.index_cast %add3A_126 : i32 to index
      %swap3A_128 = tpu.vector_load %arg9[%swap3A_127] {strides = array<i32>} : memref<2304xf32, #tpu.memory_space<vmem>>, vector<16xf32>,
      tpu.vector_store %arg9[%swap3A_127], %sub3A_112 {strides = array<i32>} : memref<2304xf32, #tpu.memory_space<vmem>>, vector<16xf32>,
      %add3A_129 = arith.constant 128 : i32
      %add3A_130 = arith.addi %mul3A_52, %add3A_129 : i32
      %add3A_131 = arith.constant 16 : i32
      %add3A_132 = arith.addi %add3A_130, %add3A_131 : i32
      %swap3A_133 = arith.index_cast %add3A_132 : i32 to index
      %swap3A_134 = tpu.vector_load %arg9[%swap3A_133] {strides = array<i32>} : memref<2304xf32, #tpu.memory_space<vmem>>, vector<16xf32>,
      tpu.vector_store %arg9[%swap3A_133], %sub3A_118 {strides = array<i32>} : memref<2304xf32, #tpu.memory_space<vmem>>, vector<16xf32>,
      %get3A_135 = arith.constant 32 : index
      %get3A_136 = tpu.vector_load %arg8[%get3A_135] {strides = array<i32>} : memref<64xi32, #tpu.memory_space<vmem>>, vector<16xi32>,
      %add3A_137 = arith.constant 32 : i32
      %add3A_138 = vector.broadcast %add3A_137 : i32 to vector<16xi32>
      %add3A_139 = arith.addi %add3A_138, %iota3A : vector<16xi32>
      %lt3A_140 = vector.broadcast %while3A_46#1 : i32 to vector<16xi32>
      %lt3A_141 = arith.cmpi slt, %add3A_139, %lt3A_140 : vector<16xi32>
      %broadcast_in_dim3A_142 = vector.broadcast %squeeze3A_50 : i32 to vector<16xi32>
      %select_n3A_143 = arith.select %lt3A_141, %get3A_136, %broadcast_in_dim3A_142 : vector<16xi1>, vector<16xi32>
      %mul3A_144 = arith.constant 3 : i32
      %mul3A_145 = vector.broadcast %mul3A_144 : i32 to vector<16xi32>
      %mul3A_146 = arith.muli %select_n3A_143, %mul3A_145 : vector<16xi32>
      %gather3A_147 = tpu.vector_load_idx %arg5[%mul3A_146] : memref<24576xf32, #tpu.memory_space<vmem>>[vector<16xi32>], vector<16xf32>,
      %sub3A_148 = vector.broadcast %squeeze3A : f32 to vector<16xf32>
      %sub3A_149 = arith.subf %gather3A_147, %sub3A_148 : vector<16xf32>
      %add3A_150 = arith.constant 1 : i32
      %add3A_151 = vector.broadcast %add3A_150 : i32 to vector<16xi32>
      %add3A_152 = arith.addi %mul3A_146, %add3A_151 : vector<16xi32>
      %gather3A_153 = tpu.vector_load_idx %arg5[%add3A_152] : memref<24576xf32, #tpu.memory_space<vmem>>[vector<16xi32>], vector<16xf32>,
      %sub3A_154 = vector.broadcast %squeeze3A_35 : f32 to vector<16xf32>
      %sub3A_155 = arith.subf %gather3A_153, %sub3A_154 : vector<16xf32>
      %add3A_156 = arith.constant 2 : i32
      %add3A_157 = vector.broadcast %add3A_156 : i32 to vector<16xi32>
      %add3A_158 = arith.addi %mul3A_146, %add3A_157 : vector<16xi32>
      %gather3A_159 = tpu.vector_load_idx %arg5[%add3A_158] : memref<24576xf32, #tpu.memory_space<vmem>>[vector<16xi32>], vector<16xf32>,
      %sub3A_160 = vector.broadcast %squeeze3A_37 : f32 to vector<16xf32>
      %sub3A_161 = arith.subf %gather3A_159, %sub3A_160 : vector<16xf32>
      %add3A_162 = arith.constant 32 : i32
      %add3A_163 = arith.addi %mul3A_52, %add3A_162 : i32
      %swap3A_164 = arith.index_cast %add3A_163 : i32 to index
      %swap3A_165 = tpu.vector_load %arg9[%swap3A_164] {strides = array<i32>} : memref<2304xf32, #tpu.memory_space<vmem>>, vector<16xf32>,
      tpu.vector_store %arg9[%swap3A_164], %sub3A_149 {strides = array<i32>} : memref<2304xf32, #tpu.memory_space<vmem>>, vector<16xf32>,
      %add3A_166 = arith.constant 64 : i32
      %add3A_167 = arith.addi %mul3A_52, %add3A_166 : i32
      %add3A_168 = arith.constant 32 : i32
      %add3A_169 = arith.addi %add3A_167, %add3A_168 : i32
      %swap3A_170 = arith.index_cast %add3A_169 : i32 to index
      %swap3A_171 = tpu.vector_load %arg9[%swap3A_170] {strides = array<i32>} : memref<2304xf32, #tpu.memory_space<vmem>>, vector<16xf32>,
      tpu.vector_store %arg9[%swap3A_170], %sub3A_155 {strides = array<i32>} : memref<2304xf32, #tpu.memory_space<vmem>>, vector<16xf32>,
      %add3A_172 = arith.constant 128 : i32
      %add3A_173 = arith.addi %mul3A_52, %add3A_172 : i32
      %add3A_174 = arith.constant 32 : i32
      %add3A_175 = arith.addi %add3A_173, %add3A_174 : i32
      %swap3A_176 = arith.index_cast %add3A_175 : i32 to index
      %swap3A_177 = tpu.vector_load %arg9[%swap3A_176] {strides = array<i32>} : memref<2304xf32, #tpu.memory_space<vmem>>, vector<16xf32>,
      tpu.vector_store %arg9[%swap3A_176], %sub3A_161 {strides = array<i32>} : memref<2304xf32, #tpu.memory_space<vmem>>, vector<16xf32>,
      %get3A_178 = arith.constant 48 : index
      %get3A_179 = tpu.vector_load %arg8[%get3A_178] {strides = array<i32>} : memref<64xi32, #tpu.memory_space<vmem>>, vector<16xi32>,
      %add3A_180 = arith.constant 48 : i32
      %add3A_181 = vector.broadcast %add3A_180 : i32 to vector<16xi32>
      %add3A_182 = arith.addi %add3A_181, %iota3A : vector<16xi32>
      %lt3A_183 = vector.broadcast %while3A_46#1 : i32 to vector<16xi32>
      %lt3A_184 = arith.cmpi slt, %add3A_182, %lt3A_183 : vector<16xi32>
      %broadcast_in_dim3A_185 = vector.broadcast %squeeze3A_50 : i32 to vector<16xi32>
      %select_n3A_186 = arith.select %lt3A_184, %get3A_179, %broadcast_in_dim3A_185 : vector<16xi1>, vector<16xi32>
      %mul3A_187 = arith.constant 3 : i32
      %mul3A_188 = vector.broadcast %mul3A_187 : i32 to vector<16xi32>
      %mul3A_189 = arith.muli %select_n3A_186, %mul3A_188 : vector<16xi32>
      %gather3A_190 = tpu.vector_load_idx %arg5[%mul3A_189] : memref<24576xf32, #tpu.memory_space<vmem>>[vector<16xi32>], vector<16xf32>,
      %sub3A_191 = vector.broadcast %squeeze3A : f32 to vector<16xf32>
      %sub3A_192 = arith.subf %gather3A_190, %sub3A_191 : vector<16xf32>
      %add3A_193 = arith.constant 1 : i32
      %add3A_194 = vector.broadcast %add3A_193 : i32 to vector<16xi32>
      %add3A_195 = arith.addi %mul3A_189, %add3A_194 : vector<16xi32>
      %gather3A_196 = tpu.vector_load_idx %arg5[%add3A_195] : memref<24576xf32, #tpu.memory_space<vmem>>[vector<16xi32>], vector<16xf32>,
      %sub3A_197 = vector.broadcast %squeeze3A_35 : f32 to vector<16xf32>
      %sub3A_198 = arith.subf %gather3A_196, %sub3A_197 : vector<16xf32>
      %add3A_199 = arith.constant 2 : i32
      %add3A_200 = vector.broadcast %add3A_199 : i32 to vector<16xi32>
      %add3A_201 = arith.addi %mul3A_189, %add3A_200 : vector<16xi32>
      %gather3A_202 = tpu.vector_load_idx %arg5[%add3A_201] : memref<24576xf32, #tpu.memory_space<vmem>>[vector<16xi32>], vector<16xf32>,
      %sub3A_203 = vector.broadcast %squeeze3A_37 : f32 to vector<16xf32>
      %sub3A_204 = arith.subf %gather3A_202, %sub3A_203 : vector<16xf32>
      %add3A_205 = arith.constant 48 : i32
      %add3A_206 = arith.addi %mul3A_52, %add3A_205 : i32
      %swap3A_207 = arith.index_cast %add3A_206 : i32 to index
      %swap3A_208 = tpu.vector_load %arg9[%swap3A_207] {strides = array<i32>} : memref<2304xf32, #tpu.memory_space<vmem>>, vector<16xf32>,
      tpu.vector_store %arg9[%swap3A_207], %sub3A_192 {strides = array<i32>} : memref<2304xf32, #tpu.memory_space<vmem>>, vector<16xf32>,
      %add3A_209 = arith.constant 64 : i32
      %add3A_210 = arith.addi %mul3A_52, %add3A_209 : i32
      %add3A_211 = arith.constant 48 : i32
      %add3A_212 = arith.addi %add3A_210, %add3A_211 : i32
      %swap3A_213 = arith.index_cast %add3A_212 : i32 to index
      %swap3A_214 = tpu.vector_load %arg9[%swap3A_213] {strides = array<i32>} : memref<2304xf32, #tpu.memory_space<vmem>>, vector<16xf32>,
      tpu.vector_store %arg9[%swap3A_213], %sub3A_198 {strides = array<i32>} : memref<2304xf32, #tpu.memory_space<vmem>>, vector<16xf32>,
      %add3A_215 = arith.constant 128 : i32
      %add3A_216 = arith.addi %mul3A_52, %add3A_215 : i32
      %add3A_217 = arith.constant 48 : i32
      %add3A_218 = arith.addi %add3A_216, %add3A_217 : i32
      %swap3A_219 = arith.index_cast %add3A_218 : i32 to index
      %swap3A_220 = tpu.vector_load %arg9[%swap3A_219] {strides = array<i32>} : memref<2304xf32, #tpu.memory_space<vmem>>, vector<16xf32>,
      tpu.vector_store %arg9[%swap3A_219], %sub3A_204 {strides = array<i32>} : memref<2304xf32, #tpu.memory_space<vmem>>, vector<16xf32>,
      %lt3A_221 = arith.constant 5 : i32
      %lt3A_222 = arith.cmpi slt, %scan3A_12, %lt3A_221 : i32
      %convert_element_type3A = arith.extui %lt3A_222 : i1 to i32
      %cond3A = arith.constant 0 : i32
      %cond3A_223 = arith.cmpi ne, %convert_element_type3A, %cond3A : i32
      scf.if %cond3A_223 {
        %add3A_433 = arith.constant 64 : i32
        %add3A_434 = arith.addi %add3A_15, %add3A_433 : i32
        %dma_start3A_435 = arith.constant 0 : i32
        %dma_start3A_436 = tpu.memref_slice %arg2[%add3A_434, %dma_start3A_435] : memref<384x24576xf32, #tpu.memory_space<hbm>> -> memref<1x24576xf32, #tpu.memory_space<hbm>>
        %dma_start3A_437 = tpu.memref_squeeze %dma_start3A_436 : memref<1x24576xf32, #tpu.memory_space<hbm>> -> memref<24576xf32, #tpu.memory_space<hbm>>
        %dma_start3A_438 = arith.constant 0 : i32
        %dma_start3A_439 = tpu.memref_slice %arg2[%add3A_434, %dma_start3A_438] : memref<384x24576xf32, #tpu.memory_space<hbm>> -> memref<1x24576xf32, #tpu.memory_space<hbm>>
        %dma_start3A_440 = tpu.memref_squeeze %dma_start3A_439 : memref<1x24576xf32, #tpu.memory_space<hbm>> -> memref<24576xf32, #tpu.memory_space<hbm>>
        tpu.enqueue_dma source(%dma_start3A_440 : memref<24576xf32, #tpu.memory_space<hbm>>) target(%arg5 : memref<24576xf32, #tpu.memory_space<vmem>>) target_semaphore(%arg10 : memref<!tpu.dma_semaphore, #tpu.memory_space<semaphore_mem>>)
      } else {
      }
      %dma_wait3A_224 = arith.constant 0 : i32
      %dma_wait3A_225 = tpu.memref_slice %arg2[%add3A_17, %dma_wait3A_224] : memref<384x24576xf32, #tpu.memory_space<hbm>> -> memref<1x24576xf32, #tpu.memory_space<hbm>>
      %dma_wait3A_226 = tpu.memref_squeeze %dma_wait3A_225 : memref<1x24576xf32, #tpu.memory_space<hbm>> -> memref<24576xf32, #tpu.memory_space<hbm>>
      %dma_wait3A_227 = arith.constant 0 : i32
      %dma_wait3A_228 = tpu.memref_slice %arg2[%add3A_17, %dma_wait3A_227] : memref<384x24576xf32, #tpu.memory_space<hbm>> -> memref<1x24576xf32, #tpu.memory_space<hbm>>
      %dma_wait3A_229 = tpu.memref_squeeze %dma_wait3A_228 : memref<1x24576xf32, #tpu.memory_space<hbm>> -> memref<24576xf32, #tpu.memory_space<hbm>>
      tpu.wait_dma2 semaphore(%arg11 : memref<!tpu.dma_semaphore, #tpu.memory_space<semaphore_mem>>) src(%dma_wait3A_229 : memref<24576xf32, #tpu.memory_space<hbm>>) dst(%arg6 : memref<24576xf32, #tpu.memory_space<vmem>>)
      %mul3A_230 = arith.constant 2 : i32
      %mul3A_231 = arith.muli %mul3A_230, %scan3A_12 : i32
      %add3A_232 = arith.constant 1 : i32
      %add3A_233 = arith.addi %mul3A_231, %add3A_232 : i32
      %mul3A_234 = arith.constant 16 : i32
      %mul3A_235 = arith.muli %add3A_233, %mul3A_234 : i32
      %get3A_236 = arith.index_cast %mul3A_235 : i32 to index
      %get3A_237 = tpu.vector_load %arg7[%get3A_236] {strides = array<i32>} : memref<192xf32, #tpu.memory_space<vmem>>, vector<16xf32>,
      %slice3A_238 = vector.extract_strided_slice %get3A_237 {offsets = [0], sizes = [1], strides = [1]} : vector<16xf32> to vector<1xf32>
      %squeeze3A_239 = vector.extract %slice3A_238[0] : f32 from vector<1xf32>
      %slice3A_240 = vector.extract_strided_slice %get3A_237 {offsets = [1], sizes = [1], strides = [1]} : vector<16xf32> to vector<1xf32>
      %squeeze3A_241 = vector.extract %slice3A_240[0] : f32 from vector<1xf32>
      %slice3A_242 = vector.extract_strided_slice %get3A_237 {offsets = [2], sizes = [1], strides = [1]} : vector<16xf32> to vector<1xf32>
      %squeeze3A_243 = vector.extract %slice3A_242[0] : f32 from vector<1xf32>
      %swap3A_244 = arith.constant 0 : index
      %swap3A_245 = tpu.vector_load %arg8[%swap3A_244] {strides = array<i32>} : memref<64xi32, #tpu.memory_space<vmem>>, vector<16xi32>,
      tpu.vector_store %arg8[%swap3A_244], %broadcast_in_dim3A_1 {strides = array<i32>} : memref<64xi32, #tpu.memory_space<vmem>>, vector<16xi32>,
      %swap3A_246 = arith.constant 16 : index
      %swap3A_247 = tpu.vector_load %arg8[%swap3A_246] {strides = array<i32>} : memref<64xi32, #tpu.memory_space<vmem>>, vector<16xi32>,
      tpu.vector_store %arg8[%swap3A_246], %broadcast_in_dim3A_1 {strides = array<i32>} : memref<64xi32, #tpu.memory_space<vmem>>, vector<16xi32>,
      %swap3A_248 = arith.constant 32 : index
      %swap3A_249 = tpu.vector_load %arg8[%swap3A_248] {strides = array<i32>} : memref<64xi32, #tpu.memory_space<vmem>>, vector<16xi32>,
      tpu.vector_store %arg8[%swap3A_248], %broadcast_in_dim3A_1 {strides = array<i32>} : memref<64xi32, #tpu.memory_space<vmem>>, vector<16xi32>,
      %swap3A_250 = arith.constant 48 : index
      %swap3A_251 = tpu.vector_load %arg8[%swap3A_250] {strides = array<i32>} : memref<64xi32, #tpu.memory_space<vmem>>, vector<16xi32>,
      tpu.vector_store %arg8[%swap3A_250], %broadcast_in_dim3A_1 {strides = array<i32>} : memref<64xi32, #tpu.memory_space<vmem>>, vector<16xi32>,
      %while3A_252 = arith.constant 0 : i32
      %while3A_253 = arith.constant 0 : i32
      %while3A_254:2 = scf.while (%while3A_433 = %while3A_252, %while3A_434 = %while3A_253) : (i32, i32) -> (i32, i32) {
        %lt3A_435 = arith.constant 512 : i32
        %lt3A_436 = arith.cmpi slt, %while3A_433, %lt3A_435 : i32
        %lt3A_437 = arith.constant 64 : i32
        %lt3A_438 = arith.cmpi slt, %while3A_434, %lt3A_437 : i32
        %and3A = arith.andi %lt3A_436, %lt3A_438 : i1
        scf.condition(%and3A) %while3A_433, %while3A_434 : i32, i32
      } do {
      ^bb0(%while3A_433: i32, %while3A_434: i32):
        %add3A_435 = arith.constant 0 : i32
        %add3A_436 = arith.addi %while3A_433, %add3A_435 : i32
        %mul3A_437 = arith.constant 16 : i32
        %mul3A_438 = arith.muli %add3A_436, %mul3A_437 : i32
        %add3A_439 = vector.broadcast %mul3A_438 : i32 to vector<16xi32>
        %add3A_440 = arith.addi %add3A_439, %iota3A : vector<16xi32>
        %mul3A_441 = arith.constant 3 : i32
        %mul3A_442 = vector.broadcast %mul3A_441 : i32 to vector<16xi32>
        %mul3A_443 = arith.muli %add3A_440, %mul3A_442 : vector<16xi32>
        %gather3A_444 = tpu.vector_load_idx %arg6[%mul3A_443] : memref<24576xf32, #tpu.memory_space<vmem>>[vector<16xi32>], vector<16xf32>,
        %add3A_445 = arith.constant 1 : i32
        %add3A_446 = vector.broadcast %add3A_445 : i32 to vector<16xi32>
        %add3A_447 = arith.addi %mul3A_443, %add3A_446 : vector<16xi32>
        %gather3A_448 = tpu.vector_load_idx %arg6[%add3A_447] : memref<24576xf32, #tpu.memory_space<vmem>>[vector<16xi32>], vector<16xf32>,
        %add3A_449 = arith.constant 2 : i32
        %add3A_450 = vector.broadcast %add3A_449 : i32 to vector<16xi32>
        %add3A_451 = arith.addi %mul3A_443, %add3A_450 : vector<16xi32>
        %gather3A_452 = tpu.vector_load_idx %arg6[%add3A_451] : memref<24576xf32, #tpu.memory_space<vmem>>[vector<16xi32>], vector<16xf32>,
        %sub3A_453 = vector.broadcast %squeeze3A_239 : f32 to vector<16xf32>
        %sub3A_454 = arith.subf %gather3A_444, %sub3A_453 : vector<16xf32>
        %sub3A_455 = vector.broadcast %squeeze3A_241 : f32 to vector<16xf32>
        %sub3A_456 = arith.subf %gather3A_448, %sub3A_455 : vector<16xf32>
        %sub3A_457 = vector.broadcast %squeeze3A_243 : f32 to vector<16xf32>
        %sub3A_458 = arith.subf %gather3A_452, %sub3A_457 : vector<16xf32>
        %mul3A_459 = arith.mulf %sub3A_454, %sub3A_454 : vector<16xf32>
        %mul3A_460 = arith.mulf %sub3A_456, %sub3A_456 : vector<16xf32>
        %add3A_461 = arith.addf %mul3A_459, %mul3A_460 : vector<16xf32>
        %mul3A_462 = arith.mulf %sub3A_458, %sub3A_458 : vector<16xf32>
        %add3A_463 = arith.addf %add3A_461, %mul3A_462 : vector<16xf32>
        %lt3A_464 = arith.constant 2.500000e-01 : f32
        %lt3A_465 = vector.broadcast %lt3A_464 : f32 to vector<16xf32>
        %lt3A_466 = arith.cmpf olt, %add3A_463, %lt3A_465 : vector<16xf32>
        %convert_element_type3A_467 = arith.extui %lt3A_466 : vector<16xi1> to vector<16xi32>
        %cumsum3A = arith.constant true
        %cumsum3A_468 = vector.broadcast %cumsum3A : i1 to vector<16xi1>
        %cumsum3A_469 = tpu.scan <sum>, %convert_element_type3A_467 masked %cumsum3A_468 : vector<16xi32>, vector<16xi1> -> vector<16xi32>
        %add3A_470 = vector.broadcast %while3A_434 : i32 to vector<16xi32>
        %add3A_471 = arith.addi %add3A_470, %cumsum3A_469 : vector<16xi32>
        %sub3A_472 = arith.constant 1 : i32
        %sub3A_473 = vector.broadcast %sub3A_472 : i32 to vector<16xi32>
        %sub3A_474 = arith.subi %add3A_471, %sub3A_473 : vector<16xi32>
        %lt3A_475 = arith.constant 64 : i32
        %lt3A_476 = vector.broadcast %lt3A_475 : i32 to vector<16xi32>
        %lt3A_477 = arith.cmpi slt, %sub3A_474, %lt3A_476 : vector<16xi32>
        %and3A = arith.andi %lt3A_466, %lt3A_477 : vector<16xi1>
        tpu.vector_store_idx %arg8[%sub3A_474], %add3A_440 masked %and3A : memref<64xi32, #tpu.memory_space<vmem>>[vector<16xi32>], vector<16xi32>, vector<16xi1>
        %reduce_sum3A = arith.constant true
        %reduce_sum3A_478 = vector.broadcast %reduce_sum3A : i1 to vector<16xi1>
        %reduce_sum3A_479 = tpu.scan <sum>, %convert_element_type3A_467 masked %reduce_sum3A_478 : vector<16xi32>, vector<16xi1> -> vector<16xi32>
        %reduce_sum3A_480 = vector.extract %reduce_sum3A_479[15] : i32 from vector<16xi32>
        %add3A_481 = arith.addi %while3A_434, %reduce_sum3A_480 : i32
        %add3A_482 = arith.constant 1 : i32
        %add3A_483 = arith.addi %while3A_433, %add3A_482 : i32
        %mul3A_484 = arith.constant 16 : i32
        %mul3A_485 = arith.muli %add3A_483, %mul3A_484 : i32
        %add3A_486 = vector.broadcast %mul3A_485 : i32 to vector<16xi32>
        %add3A_487 = arith.addi %add3A_486, %iota3A : vector<16xi32>
        %mul3A_488 = arith.constant 3 : i32
        %mul3A_489 = vector.broadcast %mul3A_488 : i32 to vector<16xi32>
        %mul3A_490 = arith.muli %add3A_487, %mul3A_489 : vector<16xi32>
        %gather3A_491 = tpu.vector_load_idx %arg6[%mul3A_490] : memref<24576xf32, #tpu.memory_space<vmem>>[vector<16xi32>], vector<16xf32>,
        %add3A_492 = arith.constant 1 : i32
        %add3A_493 = vector.broadcast %add3A_492 : i32 to vector<16xi32>
        %add3A_494 = arith.addi %mul3A_490, %add3A_493 : vector<16xi32>
        %gather3A_495 = tpu.vector_load_idx %arg6[%add3A_494] : memref<24576xf32, #tpu.memory_space<vmem>>[vector<16xi32>], vector<16xf32>,
        %add3A_496 = arith.constant 2 : i32
        %add3A_497 = vector.broadcast %add3A_496 : i32 to vector<16xi32>
        %add3A_498 = arith.addi %mul3A_490, %add3A_497 : vector<16xi32>
        %gather3A_499 = tpu.vector_load_idx %arg6[%add3A_498] : memref<24576xf32, #tpu.memory_space<vmem>>[vector<16xi32>], vector<16xf32>,
        %sub3A_500 = vector.broadcast %squeeze3A_239 : f32 to vector<16xf32>
        %sub3A_501 = arith.subf %gather3A_491, %sub3A_500 : vector<16xf32>
        %sub3A_502 = vector.broadcast %squeeze3A_241 : f32 to vector<16xf32>
        %sub3A_503 = arith.subf %gather3A_495, %sub3A_502 : vector<16xf32>
        %sub3A_504 = vector.broadcast %squeeze3A_243 : f32 to vector<16xf32>
        %sub3A_505 = arith.subf %gather3A_499, %sub3A_504 : vector<16xf32>
        %mul3A_506 = arith.mulf %sub3A_501, %sub3A_501 : vector<16xf32>
        %mul3A_507 = arith.mulf %sub3A_503, %sub3A_503 : vector<16xf32>
        %add3A_508 = arith.addf %mul3A_506, %mul3A_507 : vector<16xf32>
        %mul3A_509 = arith.mulf %sub3A_505, %sub3A_505 : vector<16xf32>
        %add3A_510 = arith.addf %add3A_508, %mul3A_509 : vector<16xf32>
        %lt3A_511 = arith.constant 2.500000e-01 : f32
        %lt3A_512 = vector.broadcast %lt3A_511 : f32 to vector<16xf32>
        %lt3A_513 = arith.cmpf olt, %add3A_510, %lt3A_512 : vector<16xf32>
        %convert_element_type3A_514 = arith.extui %lt3A_513 : vector<16xi1> to vector<16xi32>
        %cumsum3A_515 = arith.constant true
        %cumsum3A_516 = vector.broadcast %cumsum3A_515 : i1 to vector<16xi1>
        %cumsum3A_517 = tpu.scan <sum>, %convert_element_type3A_514 masked %cumsum3A_516 : vector<16xi32>, vector<16xi1> -> vector<16xi32>
        %add3A_518 = vector.broadcast %add3A_481 : i32 to vector<16xi32>
        %add3A_519 = arith.addi %add3A_518, %cumsum3A_517 : vector<16xi32>
        %sub3A_520 = arith.constant 1 : i32
        %sub3A_521 = vector.broadcast %sub3A_520 : i32 to vector<16xi32>
        %sub3A_522 = arith.subi %add3A_519, %sub3A_521 : vector<16xi32>
        %lt3A_523 = arith.constant 64 : i32
        %lt3A_524 = vector.broadcast %lt3A_523 : i32 to vector<16xi32>
        %lt3A_525 = arith.cmpi slt, %sub3A_522, %lt3A_524 : vector<16xi32>
        %and3A_526 = arith.andi %lt3A_513, %lt3A_525 : vector<16xi1>
        tpu.vector_store_idx %arg8[%sub3A_522], %add3A_487 masked %and3A_526 : memref<64xi32, #tpu.memory_space<vmem>>[vector<16xi32>], vector<16xi32>, vector<16xi1>
        %reduce_sum3A_527 = arith.constant true
        %reduce_sum3A_528 = vector.broadcast %reduce_sum3A_527 : i1 to vector<16xi1>
        %reduce_sum3A_529 = tpu.scan <sum>, %convert_element_type3A_514 masked %reduce_sum3A_528 : vector<16xi32>, vector<16xi1> -> vector<16xi32>
        %reduce_sum3A_530 = vector.extract %reduce_sum3A_529[15] : i32 from vector<16xi32>
        %add3A_531 = arith.addi %add3A_481, %reduce_sum3A_530 : i32
        %add3A_532 = arith.constant 2 : i32
        %add3A_533 = arith.addi %while3A_433, %add3A_532 : i32
        scf.yield %add3A_533, %add3A_531 : i32, i32
      }
      %get3A_255 = arith.constant 0 : index
      %get3A_256 = tpu.vector_load %arg8[%get3A_255] {strides = array<i32>} : memref<64xi32, #tpu.memory_space<vmem>>, vector<16xi32>,
      %slice3A_257 = vector.extract_strided_slice %get3A_256 {offsets = [0], sizes = [1], strides = [1]} : vector<16xi32> to vector<1xi32>
      %squeeze3A_258 = vector.extract %slice3A_257[0] : i32 from vector<1xi32>
      %mul3A_259 = arith.constant 192 : i32
      %mul3A_260 = arith.muli %add3A_233, %mul3A_259 : i32
      %get3A_261 = arith.constant 0 : index
      %get3A_262 = tpu.vector_load %arg8[%get3A_261] {strides = array<i32>} : memref<64xi32, #tpu.memory_space<vmem>>, vector<16xi32>,
      %add3A_263 = arith.constant 0 : i32
      %add3A_264 = vector.broadcast %add3A_263 : i32 to vector<16xi32>
      %add3A_265 = arith.addi %add3A_264, %iota3A : vector<16xi32>
      %lt3A_266 = vector.broadcast %while3A_254#1 : i32 to vector<16xi32>
      %lt3A_267 = arith.cmpi slt, %add3A_265, %lt3A_266 : vector<16xi32>
      %broadcast_in_dim3A_268 = vector.broadcast %squeeze3A_258 : i32 to vector<16xi32>
      %select_n3A_269 = arith.select %lt3A_267, %get3A_262, %broadcast_in_dim3A_268 : vector<16xi1>, vector<16xi32>
      %mul3A_270 = arith.constant 3 : i32
      %mul3A_271 = vector.broadcast %mul3A_270 : i32 to vector<16xi32>
      %mul3A_272 = arith.muli %select_n3A_269, %mul3A_271 : vector<16xi32>
      %gather3A_273 = tpu.vector_load_idx %arg6[%mul3A_272] : memref<24576xf32, #tpu.memory_space<vmem>>[vector<16xi32>], vector<16xf32>,
      %sub3A_274 = vector.broadcast %squeeze3A_239 : f32 to vector<16xf32>
      %sub3A_275 = arith.subf %gather3A_273, %sub3A_274 : vector<16xf32>
      %add3A_276 = arith.constant 1 : i32
      %add3A_277 = vector.broadcast %add3A_276 : i32 to vector<16xi32>
      %add3A_278 = arith.addi %mul3A_272, %add3A_277 : vector<16xi32>
      %gather3A_279 = tpu.vector_load_idx %arg6[%add3A_278] : memref<24576xf32, #tpu.memory_space<vmem>>[vector<16xi32>], vector<16xf32>,
      %sub3A_280 = vector.broadcast %squeeze3A_241 : f32 to vector<16xf32>
      %sub3A_281 = arith.subf %gather3A_279, %sub3A_280 : vector<16xf32>
      %add3A_282 = arith.constant 2 : i32
      %add3A_283 = vector.broadcast %add3A_282 : i32 to vector<16xi32>
      %add3A_284 = arith.addi %mul3A_272, %add3A_283 : vector<16xi32>
      %gather3A_285 = tpu.vector_load_idx %arg6[%add3A_284] : memref<24576xf32, #tpu.memory_space<vmem>>[vector<16xi32>], vector<16xf32>,
      %sub3A_286 = vector.broadcast %squeeze3A_243 : f32 to vector<16xf32>
      %sub3A_287 = arith.subf %gather3A_285, %sub3A_286 : vector<16xf32>
      %add3A_288 = arith.constant 0 : i32
      %add3A_289 = arith.addi %mul3A_260, %add3A_288 : i32
      %swap3A_290 = arith.index_cast %add3A_289 : i32 to index
      %swap3A_291 = tpu.vector_load %arg9[%swap3A_290] {strides = array<i32>} : memref<2304xf32, #tpu.memory_space<vmem>>, vector<16xf32>,
      tpu.vector_store %arg9[%swap3A_290], %sub3A_275 {strides = array<i32>} : memref<2304xf32, #tpu.memory_space<vmem>>, vector<16xf32>,
      %add3A_292 = arith.constant 64 : i32
      %add3A_293 = arith.addi %mul3A_260, %add3A_292 : i32
      %add3A_294 = arith.constant 0 : i32
      %add3A_295 = arith.addi %add3A_293, %add3A_294 : i32
      %swap3A_296 = arith.index_cast %add3A_295 : i32 to index
      %swap3A_297 = tpu.vector_load %arg9[%swap3A_296] {strides = array<i32>} : memref<2304xf32, #tpu.memory_space<vmem>>, vector<16xf32>,
      tpu.vector_store %arg9[%swap3A_296], %sub3A_281 {strides = array<i32>} : memref<2304xf32, #tpu.memory_space<vmem>>, vector<16xf32>,
      %add3A_298 = arith.constant 128 : i32
      %add3A_299 = arith.addi %mul3A_260, %add3A_298 : i32
      %add3A_300 = arith.constant 0 : i32
      %add3A_301 = arith.addi %add3A_299, %add3A_300 : i32
      %swap3A_302 = arith.index_cast %add3A_301 : i32 to index
      %swap3A_303 = tpu.vector_load %arg9[%swap3A_302] {strides = array<i32>} : memref<2304xf32, #tpu.memory_space<vmem>>, vector<16xf32>,
      tpu.vector_store %arg9[%swap3A_302], %sub3A_287 {strides = array<i32>} : memref<2304xf32, #tpu.memory_space<vmem>>, vector<16xf32>,
      %get3A_304 = arith.constant 16 : index
      %get3A_305 = tpu.vector_load %arg8[%get3A_304] {strides = array<i32>} : memref<64xi32, #tpu.memory_space<vmem>>, vector<16xi32>,
      %add3A_306 = arith.constant 16 : i32
      %add3A_307 = vector.broadcast %add3A_306 : i32 to vector<16xi32>
      %add3A_308 = arith.addi %add3A_307, %iota3A : vector<16xi32>
      %lt3A_309 = vector.broadcast %while3A_254#1 : i32 to vector<16xi32>
      %lt3A_310 = arith.cmpi slt, %add3A_308, %lt3A_309 : vector<16xi32>
      %broadcast_in_dim3A_311 = vector.broadcast %squeeze3A_258 : i32 to vector<16xi32>
      %select_n3A_312 = arith.select %lt3A_310, %get3A_305, %broadcast_in_dim3A_311 : vector<16xi1>, vector<16xi32>
      %mul3A_313 = arith.constant 3 : i32
      %mul3A_314 = vector.broadcast %mul3A_313 : i32 to vector<16xi32>
      %mul3A_315 = arith.muli %select_n3A_312, %mul3A_314 : vector<16xi32>
      %gather3A_316 = tpu.vector_load_idx %arg6[%mul3A_315] : memref<24576xf32, #tpu.memory_space<vmem>>[vector<16xi32>], vector<16xf32>,
      %sub3A_317 = vector.broadcast %squeeze3A_239 : f32 to vector<16xf32>
      %sub3A_318 = arith.subf %gather3A_316, %sub3A_317 : vector<16xf32>
      %add3A_319 = arith.constant 1 : i32
      %add3A_320 = vector.broadcast %add3A_319 : i32 to vector<16xi32>
      %add3A_321 = arith.addi %mul3A_315, %add3A_320 : vector<16xi32>
      %gather3A_322 = tpu.vector_load_idx %arg6[%add3A_321] : memref<24576xf32, #tpu.memory_space<vmem>>[vector<16xi32>], vector<16xf32>,
      %sub3A_323 = vector.broadcast %squeeze3A_241 : f32 to vector<16xf32>
      %sub3A_324 = arith.subf %gather3A_322, %sub3A_323 : vector<16xf32>
      %add3A_325 = arith.constant 2 : i32
      %add3A_326 = vector.broadcast %add3A_325 : i32 to vector<16xi32>
      %add3A_327 = arith.addi %mul3A_315, %add3A_326 : vector<16xi32>
      %gather3A_328 = tpu.vector_load_idx %arg6[%add3A_327] : memref<24576xf32, #tpu.memory_space<vmem>>[vector<16xi32>], vector<16xf32>,
      %sub3A_329 = vector.broadcast %squeeze3A_243 : f32 to vector<16xf32>
      %sub3A_330 = arith.subf %gather3A_328, %sub3A_329 : vector<16xf32>
      %add3A_331 = arith.constant 16 : i32
      %add3A_332 = arith.addi %mul3A_260, %add3A_331 : i32
      %swap3A_333 = arith.index_cast %add3A_332 : i32 to index
      %swap3A_334 = tpu.vector_load %arg9[%swap3A_333] {strides = array<i32>} : memref<2304xf32, #tpu.memory_space<vmem>>, vector<16xf32>,
      tpu.vector_store %arg9[%swap3A_333], %sub3A_318 {strides = array<i32>} : memref<2304xf32, #tpu.memory_space<vmem>>, vector<16xf32>,
      %add3A_335 = arith.constant 64 : i32
      %add3A_336 = arith.addi %mul3A_260, %add3A_335 : i32
      %add3A_337 = arith.constant 16 : i32
      %add3A_338 = arith.addi %add3A_336, %add3A_337 : i32
      %swap3A_339 = arith.index_cast %add3A_338 : i32 to index
      %swap3A_340 = tpu.vector_load %arg9[%swap3A_339] {strides = array<i32>} : memref<2304xf32, #tpu.memory_space<vmem>>, vector<16xf32>,
      tpu.vector_store %arg9[%swap3A_339], %sub3A_324 {strides = array<i32>} : memref<2304xf32, #tpu.memory_space<vmem>>, vector<16xf32>,
      %add3A_341 = arith.constant 128 : i32
      %add3A_342 = arith.addi %mul3A_260, %add3A_341 : i32
      %add3A_343 = arith.constant 16 : i32
      %add3A_344 = arith.addi %add3A_342, %add3A_343 : i32
      %swap3A_345 = arith.index_cast %add3A_344 : i32 to index
      %swap3A_346 = tpu.vector_load %arg9[%swap3A_345] {strides = array<i32>} : memref<2304xf32, #tpu.memory_space<vmem>>, vector<16xf32>,
      tpu.vector_store %arg9[%swap3A_345], %sub3A_330 {strides = array<i32>} : memref<2304xf32, #tpu.memory_space<vmem>>, vector<16xf32>,
      %get3A_347 = arith.constant 32 : index
      %get3A_348 = tpu.vector_load %arg8[%get3A_347] {strides = array<i32>} : memref<64xi32, #tpu.memory_space<vmem>>, vector<16xi32>,
      %add3A_349 = arith.constant 32 : i32
      %add3A_350 = vector.broadcast %add3A_349 : i32 to vector<16xi32>
      %add3A_351 = arith.addi %add3A_350, %iota3A : vector<16xi32>
      %lt3A_352 = vector.broadcast %while3A_254#1 : i32 to vector<16xi32>
      %lt3A_353 = arith.cmpi slt, %add3A_351, %lt3A_352 : vector<16xi32>
      %broadcast_in_dim3A_354 = vector.broadcast %squeeze3A_258 : i32 to vector<16xi32>
      %select_n3A_355 = arith.select %lt3A_353, %get3A_348, %broadcast_in_dim3A_354 : vector<16xi1>, vector<16xi32>
      %mul3A_356 = arith.constant 3 : i32
      %mul3A_357 = vector.broadcast %mul3A_356 : i32 to vector<16xi32>
      %mul3A_358 = arith.muli %select_n3A_355, %mul3A_357 : vector<16xi32>
      %gather3A_359 = tpu.vector_load_idx %arg6[%mul3A_358] : memref<24576xf32, #tpu.memory_space<vmem>>[vector<16xi32>], vector<16xf32>,
      %sub3A_360 = vector.broadcast %squeeze3A_239 : f32 to vector<16xf32>
      %sub3A_361 = arith.subf %gather3A_359, %sub3A_360 : vector<16xf32>
      %add3A_362 = arith.constant 1 : i32
      %add3A_363 = vector.broadcast %add3A_362 : i32 to vector<16xi32>
      %add3A_364 = arith.addi %mul3A_358, %add3A_363 : vector<16xi32>
      %gather3A_365 = tpu.vector_load_idx %arg6[%add3A_364] : memref<24576xf32, #tpu.memory_space<vmem>>[vector<16xi32>], vector<16xf32>,
      %sub3A_366 = vector.broadcast %squeeze3A_241 : f32 to vector<16xf32>
      %sub3A_367 = arith.subf %gather3A_365, %sub3A_366 : vector<16xf32>
      %add3A_368 = arith.constant 2 : i32
      %add3A_369 = vector.broadcast %add3A_368 : i32 to vector<16xi32>
      %add3A_370 = arith.addi %mul3A_358, %add3A_369 : vector<16xi32>
      %gather3A_371 = tpu.vector_load_idx %arg6[%add3A_370] : memref<24576xf32, #tpu.memory_space<vmem>>[vector<16xi32>], vector<16xf32>,
      %sub3A_372 = vector.broadcast %squeeze3A_243 : f32 to vector<16xf32>
      %sub3A_373 = arith.subf %gather3A_371, %sub3A_372 : vector<16xf32>
      %add3A_374 = arith.constant 32 : i32
      %add3A_375 = arith.addi %mul3A_260, %add3A_374 : i32
      %swap3A_376 = arith.index_cast %add3A_375 : i32 to index
      %swap3A_377 = tpu.vector_load %arg9[%swap3A_376] {strides = array<i32>} : memref<2304xf32, #tpu.memory_space<vmem>>, vector<16xf32>,
      tpu.vector_store %arg9[%swap3A_376], %sub3A_361 {strides = array<i32>} : memref<2304xf32, #tpu.memory_space<vmem>>, vector<16xf32>,
      %add3A_378 = arith.constant 64 : i32
      %add3A_379 = arith.addi %mul3A_260, %add3A_378 : i32
      %add3A_380 = arith.constant 32 : i32
      %add3A_381 = arith.addi %add3A_379, %add3A_380 : i32
      %swap3A_382 = arith.index_cast %add3A_381 : i32 to index
      %swap3A_383 = tpu.vector_load %arg9[%swap3A_382] {strides = array<i32>} : memref<2304xf32, #tpu.memory_space<vmem>>, vector<16xf32>,
      tpu.vector_store %arg9[%swap3A_382], %sub3A_367 {strides = array<i32>} : memref<2304xf32, #tpu.memory_space<vmem>>, vector<16xf32>,
      %add3A_384 = arith.constant 128 : i32
      %add3A_385 = arith.addi %mul3A_260, %add3A_384 : i32
      %add3A_386 = arith.constant 32 : i32
      %add3A_387 = arith.addi %add3A_385, %add3A_386 : i32
      %swap3A_388 = arith.index_cast %add3A_387 : i32 to index
      %swap3A_389 = tpu.vector_load %arg9[%swap3A_388] {strides = array<i32>} : memref<2304xf32, #tpu.memory_space<vmem>>, vector<16xf32>,
      tpu.vector_store %arg9[%swap3A_388], %sub3A_373 {strides = array<i32>} : memref<2304xf32, #tpu.memory_space<vmem>>, vector<16xf32>,
      %get3A_390 = arith.constant 48 : index
      %get3A_391 = tpu.vector_load %arg8[%get3A_390] {strides = array<i32>} : memref<64xi32, #tpu.memory_space<vmem>>, vector<16xi32>,
      %add3A_392 = arith.constant 48 : i32
      %add3A_393 = vector.broadcast %add3A_392 : i32 to vector<16xi32>
      %add3A_394 = arith.addi %add3A_393, %iota3A : vector<16xi32>
      %lt3A_395 = vector.broadcast %while3A_254#1 : i32 to vector<16xi32>
      %lt3A_396 = arith.cmpi slt, %add3A_394, %lt3A_395 : vector<16xi32>
      %broadcast_in_dim3A_397 = vector.broadcast %squeeze3A_258 : i32 to vector<16xi32>
      %select_n3A_398 = arith.select %lt3A_396, %get3A_391, %broadcast_in_dim3A_397 : vector<16xi1>, vector<16xi32>
      %mul3A_399 = arith.constant 3 : i32
      %mul3A_400 = vector.broadcast %mul3A_399 : i32 to vector<16xi32>
      %mul3A_401 = arith.muli %select_n3A_398, %mul3A_400 : vector<16xi32>
      %gather3A_402 = tpu.vector_load_idx %arg6[%mul3A_401] : memref<24576xf32, #tpu.memory_space<vmem>>[vector<16xi32>], vector<16xf32>,
      %sub3A_403 = vector.broadcast %squeeze3A_239 : f32 to vector<16xf32>
      %sub3A_404 = arith.subf %gather3A_402, %sub3A_403 : vector<16xf32>
      %add3A_405 = arith.constant 1 : i32
      %add3A_406 = vector.broadcast %add3A_405 : i32 to vector<16xi32>
      %add3A_407 = arith.addi %mul3A_401, %add3A_406 : vector<16xi32>
      %gather3A_408 = tpu.vector_load_idx %arg6[%add3A_407] : memref<24576xf32, #tpu.memory_space<vmem>>[vector<16xi32>], vector<16xf32>,
      %sub3A_409 = vector.broadcast %squeeze3A_241 : f32 to vector<16xf32>
      %sub3A_410 = arith.subf %gather3A_408, %sub3A_409 : vector<16xf32>
      %add3A_411 = arith.constant 2 : i32
      %add3A_412 = vector.broadcast %add3A_411 : i32 to vector<16xi32>
      %add3A_413 = arith.addi %mul3A_401, %add3A_412 : vector<16xi32>
      %gather3A_414 = tpu.vector_load_idx %arg6[%add3A_413] : memref<24576xf32, #tpu.memory_space<vmem>>[vector<16xi32>], vector<16xf32>,
      %sub3A_415 = vector.broadcast %squeeze3A_243 : f32 to vector<16xf32>
      %sub3A_416 = arith.subf %gather3A_414, %sub3A_415 : vector<16xf32>
      %add3A_417 = arith.constant 48 : i32
      %add3A_418 = arith.addi %mul3A_260, %add3A_417 : i32
      %swap3A_419 = arith.index_cast %add3A_418 : i32 to index
      %swap3A_420 = tpu.vector_load %arg9[%swap3A_419] {strides = array<i32>} : memref<2304xf32, #tpu.memory_space<vmem>>, vector<16xf32>,
      tpu.vector_store %arg9[%swap3A_419], %sub3A_404 {strides = array<i32>} : memref<2304xf32, #tpu.memory_space<vmem>>, vector<16xf32>,
      %add3A_421 = arith.constant 64 : i32
      %add3A_422 = arith.addi %mul3A_260, %add3A_421 : i32
      %add3A_423 = arith.constant 48 : i32
      %add3A_424 = arith.addi %add3A_422, %add3A_423 : i32
      %swap3A_425 = arith.index_cast %add3A_424 : i32 to index
      %swap3A_426 = tpu.vector_load %arg9[%swap3A_425] {strides = array<i32>} : memref<2304xf32, #tpu.memory_space<vmem>>, vector<16xf32>,
      tpu.vector_store %arg9[%swap3A_425], %sub3A_410 {strides = array<i32>} : memref<2304xf32, #tpu.memory_space<vmem>>, vector<16xf32>,
      %add3A_427 = arith.constant 128 : i32
      %add3A_428 = arith.addi %mul3A_260, %add3A_427 : i32
      %add3A_429 = arith.constant 48 : i32
      %add3A_430 = arith.addi %add3A_428, %add3A_429 : i32
      %swap3A_431 = arith.index_cast %add3A_430 : i32 to index
      %swap3A_432 = tpu.vector_load %arg9[%swap3A_431] {strides = array<i32>} : memref<2304xf32, #tpu.memory_space<vmem>>, vector<16xf32>,
      tpu.vector_store %arg9[%swap3A_431], %sub3A_416 {strides = array<i32>} : memref<2304xf32, #tpu.memory_space<vmem>>, vector<16xf32>,
    }
    %scan3A_11 = arith.constant 6 : i32
    "tpu.region"() ({
      %run_scoped3A = tpu.sem_alloc : memref<!tpu.dma_semaphore, #tpu.memory_space<semaphore_mem>>
      %dma_start3A_12 = arith.constant 0 : i32
      %dma_start3A_13 = tpu.memref_slice %arg4[%add3A, %dma_start3A_12] : memref<32x2304xf32, #tpu.memory_space<hbm>> -> memref<1x2304xf32, #tpu.memory_space<hbm>>
      %dma_start3A_14 = tpu.memref_squeeze %dma_start3A_13 : memref<1x2304xf32, #tpu.memory_space<hbm>> -> memref<2304xf32, #tpu.memory_space<hbm>>
      %dma_start3A_15 = arith.constant 0 : i32
      %dma_start3A_16 = tpu.memref_slice %arg4[%add3A, %dma_start3A_15] : memref<32x2304xf32, #tpu.memory_space<hbm>> -> memref<1x2304xf32, #tpu.memory_space<hbm>>
      %dma_start3A_17 = tpu.memref_squeeze %dma_start3A_16 : memref<1x2304xf32, #tpu.memory_space<hbm>> -> memref<2304xf32, #tpu.memory_space<hbm>>
      tpu.enqueue_dma source(%arg9 : memref<2304xf32, #tpu.memory_space<vmem>>) target(%dma_start3A_17 : memref<2304xf32, #tpu.memory_space<hbm>>) target_semaphore(%run_scoped3A : memref<!tpu.dma_semaphore, #tpu.memory_space<semaphore_mem>>)
      %dma_wait3A = arith.constant 0 : i32
      %dma_wait3A_18 = tpu.memref_slice %arg4[%add3A, %dma_wait3A] : memref<32x2304xf32, #tpu.memory_space<hbm>> -> memref<1x2304xf32, #tpu.memory_space<hbm>>
      %dma_wait3A_19 = tpu.memref_squeeze %dma_wait3A_18 : memref<1x2304xf32, #tpu.memory_space<hbm>> -> memref<2304xf32, #tpu.memory_space<hbm>>
      %dma_wait3A_20 = arith.constant 0 : i32
      %dma_wait3A_21 = tpu.memref_slice %arg4[%add3A, %dma_wait3A_20] : memref<32x2304xf32, #tpu.memory_space<hbm>> -> memref<1x2304xf32, #tpu.memory_space<hbm>>
      %dma_wait3A_22 = tpu.memref_squeeze %dma_wait3A_21 : memref<1x2304xf32, #tpu.memory_space<hbm>> -> memref<2304xf32, #tpu.memory_space<hbm>>
      tpu.wait_dma2 semaphore(%run_scoped3A : memref<!tpu.dma_semaphore, #tpu.memory_space<semaphore_mem>>) src(%arg9 : memref<2304xf32, #tpu.memory_space<vmem>>) dst(%dma_wait3A_22 : memref<2304xf32, #tpu.memory_space<hbm>>)
      tpu.yield
    }) : () -> ()
    return
  }
}

</mosaic_0001>

<sc_bundles>
// kernel: kernel.3.cloned.1.call-start
scs
__scs_entry_jumppad:
0x0: {  	(pc) =	sbr.rel $0x88, $3  }
0x1: {  	(tag) =	ssettag $0x0;
	lr =	simm.s32 $0x1  }
0x2: {  	[smem:$0x3F9F] =	sst lr;
	_ =	strace $0xD0000000  }
0x3: {  	_ = 	snop  }
0x4: {  	_ = 	snop  }
0x5: {  	_ = 	snop  }
0x6: {  	_ = 	snop  }
0x7: {  	_ = 	snop  }
__scs_overlays_trampoline_lowered:
0x8: {  	[smem:$0x3FAE] =	sst s0  }
0x9: {  	[smem:$0x3FAF] =	sst s1  }
0xa: {  	[smem:$0x3FB0] =	sst s2  }
0xb: {  	[smem:$0x3FB1] =	sst s3  }
0xc: {  	[smem:$0x3FB2] =	sst s4  }
0xd: {  	[smem:$0x3FB3] =	sst s5  }
0xe: {  	[smem:$0x3FB4] =	sst s6  }
0xf: {  	[smem:$0x3FB5] =	sst s7  }
0x10: {  	[smem:$0x3FB6] =	sst s8  }
0x11: {  	[smem:$0x3FB7] =	sst s9;
	s0 =	simm.s32 @!p0 $0x0  }
0x12: {  	s1 =	sld [smem:$0x3F9D];
	s0 =	simm.s32 @p0 $0x1  }
0x13: {  	[smem:$0x3FB8] =	sst s0;
	s0 =	simm.s32 @!p1 $0x0  }
0x14: {  	s2 =	sld [smem:$0x3F9C];
	s0 =	simm.s32 @p1 $0x1  }
0x15: {  	[smem:$0x3FB9] =	sst s0;
	s0 =	simm.s32 @!p2 $0x0  }
0x16: {  	s3 =	sld [smem:$0x3FDB];
	s0 =	simm.s32 @p2 $0x1  }
0x17: {  	s4 =	simm.s32 $0x1BF5;
	[smem:$0x3FBB] =	sst s0  }
0x18: {  	s0 =	sld [smem:$0x3F9E];
	_ =	swait.ge [sflag:s4], $0x0  }
0x19: {  	s7 =	sld [smem:$0x3F9F]  }
0x1a: {  	s8 =	sadd.s32 $0xFFFFE003, lr  }
0x1b: {  	s9 =	sadd.s32 $0xFFFFFEF7, lr;
	s5 =	simm.s32 $0xFFFFFFFF;
	p2 =	slt.u32 s8, $0xFFFFF086  }
0x1c: {  	p1 =	slt.u32 s9, $0xF7A;
	s5 =	simm.s32 @!p2 $0x0  }
0x1d: {  	s5 =	simm.s32 @p1 $0x1;
	p0 =	seq.s32 s7, s2  }
0x1e: {  	s7 =	smul.u32 @!p0 $0xF7A, s2;
	p2 =	seq.s32 @!p0 s5, $0x0  }
0x1f: {  	s9 =	smul.u32 $0xF7A, s1;
	s8 =	simm.s32 @!p0 $0x1BF5;
	p2 =	por !p2, p0  }
0x20: {  	[sflag:s8] =	ssyncset.s32 @!p0 $0xFFFFF086;
	s6 =	sadd.s32 @!p0 s3, s7;
	s7 =	simm.s32 @!p0 $0x108  }
0x21: {  	s3 =	sadd.s32 s3, s9;
	s6 =	sadd.s32 @!p0 $0x88, s6;
	s7 =	simm.s32 @p2 $0x1082  }
0x22: {  	[simem:s7], [sflag:s8] =	dma.local @!p0 [hbm:s6], $0xF7A  }
0x23: {  	s9 =	sor.u32 $0xD0000000, s2;
	s6 =	simm.s32 $0x108;
	_ =	swait.ge @!p0 [sflag:s8], $0x0  }
0x24: {  	s3 =	sadd.s32 $0x88, s3;
	s6 =	simm.s32 @!p1 $0x1082;
	[sflag:s4] =	ssyncset.s32 $0xFFFFF086  }
0x25: {  	[simem:s6], [sflag:s4] =	dma.local [hbm:s3], $0xF7A  }
0x26: {  	[smem:$0x3F9F] =	sst s1;
	(tag) =	ssettag s2;
	_ =	strace s9  }
0x27: {  	s1 =	sld [smem:$0x3FAF]  }
0x28: {  	s2 =	sld [smem:$0x3FB0]  }
0x29: {  	s4 =	sld [smem:$0x3FB2]  }
0x2a: {  	p0 =	seq.s32 s5, $0x0;
	s5 =	sld [smem:$0x3FB3]  }
0x2b: {  	s6 =	sld [smem:$0x3FB4]  }
0x2c: {  	s7 =	sld [smem:$0x3FB5]  }
0x2d: {  	s3 =	simm.s32 $0x108;
	s8 =	sld [smem:$0x3FB6]  }
0x2e: {  	s3 =	simm.s32 @!p0 $0x1082;
	s9 =	sld [smem:$0x3FB7]  }
0x2f: {  	lr =	sadd.s32 s0, s3;
	s0 =	sld [smem:$0x3FAE]  }
0x30: {  	s3 =	sld [smem:$0x3FB1]  }
0x31: {  	[smem:$0x3FBA] =	sst s10  }
0x32: {  	s10 =	sld [smem:$0x3FB8];
	_ =	sdelay $0x3  }
0x33: {  	p0 =	seq.s32 s10, $0x1;
	s10 =	sld [smem:$0x3FBA];
	_ =	sdelay $0x3  }
0x34: {  	[smem:$0x3FBA] =	sst s10  }
0x35: {  	s10 =	sld [smem:$0x3FB9];
	_ =	sdelay $0x3  }
0x36: {  	p1 =	seq.s32 s10, $0x1;
	s10 =	sld [smem:$0x3FBA];
	_ =	sdelay $0x3  }
0x37: {  	[smem:$0x3FBA] =	sst s10  }
0x38: {  	s10 =	sld [smem:$0x3FBB]  }
0x39: {  	_ = 	snop;
	(pc) =	sbr.ind lr, $3  }
0x3a: {  	_ = 	snop  }
0x3b: {  	_ = 	snop  }
0x3c: {  	p2 =	seq.s32 s10, $0x1;
	s10 =	sld [smem:$0x3FBA]  }
0x3d: {  	_ =	shalt  }
0x3e: {  	_ =	shalt  }
0x3f: {  	_ =	shalt  }
0x40: {  	_ =	shalt  }
0x41: {  	_ =	shalt  }
0x42: {  	_ =	shalt  }
0x43: {  	_ =	shalt  }
0x44: {  	_ =	shalt  }
0x45: {  	_ =	shalt  }
0x46: {  	_ =	shalt  }
0x47: {  	_ =	shalt  }
0x48: {  	_ =	shalt  }
0x49: {  	_ =	shalt  }
0x4a: {  	_ =	shalt  }
0x4b: {  	_ =	shalt  }
0x4c: {  	_ =	shalt  }
0x4d: {  	_ =	shalt  }
0x4e: {  	_ =	shalt  }
0x4f: {  	_ =	shalt  }
0x50: {  	_ =	shalt  }
0x51: {  	_ =	shalt  }
0x52: {  	_ =	shalt  }
0x53: {  	_ =	shalt  }
0x54: {  	_ =	shalt  }
0x55: {  	_ =	shalt  }
0x56: {  	_ =	shalt  }
0x57: {  	_ =	shalt  }
0x58: {  	_ =	shalt  }
0x59: {  	_ =	shalt  }
0x5a: {  	_ =	shalt  }
0x5b: {  	_ =	shalt  }
0x5c: {  	_ =	shalt  }
0x5d: {  	_ =	shalt  }
0x5e: {  	_ =	shalt  }
0x5f: {  	_ =	shalt  }
0x60: {  	_ =	shalt  }
0x61: {  	_ =	shalt  }
0x62: {  	_ =	shalt  }
0x63: {  	_ =	shalt  }
0x64: {  	_ =	shalt  }
0x65: {  	_ =	shalt  }
0x66: {  	_ =	shalt  }
0x67: {  	_ =	shalt  }
0x68: {  	_ =	shalt  }
0x69: {  	_ =	shalt  }
0x6a: {  	_ =	shalt  }
0x6b: {  	_ =	shalt  }
0x6c: {  	_ =	shalt  }
0x6d: {  	_ =	shalt  }
0x6e: {  	_ =	shalt  }
0x6f: {  	_ =	shalt  }
0x70: {  	_ =	shalt  }
0x71: {  	_ =	shalt  }
0x72: {  	_ =	shalt  }
0x73: {  	_ =	shalt  }
0x74: {  	_ =	shalt  }
0x75: {  	_ =	shalt  }
0x76: {  	_ =	shalt  }
0x77: {  	_ =	shalt  }
0x78: {  	_ =	shalt  }
0x79: {  	_ =	shalt  }
0x7a: {  	_ =	shalt  }
0x7b: {  	_ =	shalt  }
0x7c: {  	_ =	shalt  }
0x7d: {  	_ =	shalt  }
0x7e: {  	_ =	shalt  }
0x7f: {  	_ =	shalt  }
0x80: {  	_ =	shalt  }
0x81: {  	_ =	shalt  }
0x82: {  	_ =	shalt  }
0x83: {  	_ =	shalt  }
0x84: {  	_ =	shalt  }
0x85: {  	_ =	shalt  }
0x86: {  	_ =	shalt  }
0x87: {  	_ =	shalt  }
.Lfunc_end0:
.L_simem_size_0:
called_computation_lowered:
.L_overlay_start_0:
0x88: {  	s2 =	sld [smem:$0x3FD9]  }
0x89: {  	s3 =	sld [smem:$0x3FFE];
	_ =	sdelay $0x1  }
0x8a: {  	s1 =	srdreg.scid  }
0x8b: {  	s0 =	sand.u32 $0x1, s1  }
0x8c: {  	s16 =	sshll.u32 s0, $0xA;
	s2 =	sadd.s32 s3, s2  }
0x8d: {  	s2 =	sadd.s32 s2, s16  }
0x8e: {  	[smem:$0x3FC6] =	sst s2  }
0x8f: {  	_ = 	snop  }
0x90: {  	(tm) =	ssettm $0x1  }
0x91: {  	s17 =	sld [smem:$0x3FFB];
	_ =	sdelay $0x3  }
0x92: {  	_ =	strace s17  }
0x93: {  	s2 =	sld [smem:$0x3FFC];
	_ =	sdelay $0x3  }
0x94: {  	_ =	strace s2  }
0x95: {  	s2 =	sld [smem:$0x3FFD];
	_ =	sdelay $0x3  }
0x96: {  	_ =	strace s2  }
0x97: {  	_ =	strace $0x8FFFFFFF  }
0x98: {  	s18 =	sld [smem:$0x3FDB];
	_ =	sdelay $0x1  }
0x99: {  	s19 =	simm.s32 $_scs_section_size  }
0x9a: {  	s4 =	simm.s32 $_size__tile_overlayer_lowered;
	s5 =	simm.s32 $_tile_overlayer_lowered  }
0x9b: {  	s22 =	simm.s32 $0x1BFF;
	s21 =	sshll.u32 s5, $0x1;
	s2 =	sadd.s32 s19, s18  }
0x9c: {  	s6 =	simm.s32 $0x0;
	s20 =	sshll.u32 s4, $0x1;
	s4 =	sadd.s32 s21, s2  }
0x9d: {  	[timem:s6], [sflag:s22] =	dma.local [hbm:s4], s20  }
0x9e: {  	_ =	swait.ge [sflag:s22], s20  }
0x9f: {  	s3 =	ssub.s32 $0x0, s20;
	[sflag:s22] =	ssyncset.done $0x0  }
0xa0: {  	[sflag:s22] =	ssyncadd.s32 s3;
	_ =	sdelay $0x1  }
0xa1: {  	s23 =	simm.s32 $0x1B8B  }
0xa2: {  	_ =	swait.ge [sflag:s23], $0x1  }
0xa3: {  	[sflag:s23] =	ssyncset.done $0x0  }
0xa4: {  	s25 =	simm.s32 $0x1B8E;
	s24 =	sld [smem:$0x3FFE];
	[sflag:s23] =	ssyncadd.s32 $0xFFFFFFFF  }
0xa5: {  	s26 =	simm.s32 $execute0_lowered;
	[smem:$0x3FD2] =	sst s25  }
0xa6: {  	s4 =	sshll.u32 s26, $0x1;
	_ =	strace $0x80000046;
	[dreg:$0x1] =	wrdreg $0xFFFFFFFF  }
0xa7: {  	s28 =	simm.s32 $_size_execute0_lowered;
	s2 =	sadd.s32 s2, s4;
	[dreg:$0x0] =	wrdreg $0x0  }
0xa8: {  	s4 =	sshll.u32 s28, $0x1;
	[dreg:$0x2] =	wrdreg s2  }
0xa9: {  	[dreg:$0x3] =	wrdreg s4  }
0xaa: {  	[dreg:$0x4] =	wrdreg $0xC0  }
0xab: {  	_ =	task [dreg:s6], $0x5FFFF  }
0xac: {  	[dreg:$0x1] =	wrdreg $0xFFFFFFFF  }
0xad: {  	[dreg:$0x0] =	wrdreg $0x60  }
0xae: {  	[dreg:$0x2] =	wrdreg s24  }
0xaf: {  	[dreg:$0x3] =	wrdreg $0x9  }
0xb0: {  	_ =	task.clear_ibuf [dreg:s6], $0x4FFFF;
	_ =	strace $0x90000046  }
0xb1: {  	s29 =	simm.s32 $0x9;
	_ =	strace $0x80000048  }
0xb2: {  	_ =	swait.ge [sflag:s29], $0x1  }
0xb3: {  	[sflag:s29] =	ssyncadd.s32 $0xFFFFFFFF  }
0xb4: {  	_ =	strace $0x90000048  }
0xb5: {  	_ =	sfence  }
0xb6: {  	s30 =	sld [smem:$0x0];
	_ =	sdelay $0x2  }
0xb7: {  	s31 =	sshll.u32 s1, $0xD;
	s1 =	sshrl.u32 s1, $0x2  }
0xb8: {  	s3 =	sand.u32 $0x4000, s31;
	s1 =	sadd.s32 s1, s30  }
0xb9: {  	s0 =	sor.u32 s3, s0;
	s1 =	sshll.u32 s1, $0x11  }
0xba: {  	s0 =	sor.u32 s1, s0  }
0xbb: {  	s0 =	sadd.s32 $0x8F2B, s0  }
0xbc: {  	[sflag:s0] =	ssyncadd.remote.s32 $0x1  }
0xbd: {  	_ =	sfence.sel $0xFFFF  }
0xbe: {  	[dreg:$0x0] =	wrdreg $0xFFFFFFFF;
	(pc) =	sbr.abs _section_cstart, $3  }
0xbf: {  	[dreg:$0x1] =	wrdreg $0xFFFFFFFF  }
0xc0: {  	_ =	task.clear_ibuf [dreg:s6], $0x2FFFF;
	_ =	strace $0x9FFFFFFF  }
0xc1: {  	(tm) =	ssettm $0x7FFFFFFF  }
tec
execute0_lowered:
.L_overlay_start_1:
0x0: {  	(tag) =	ssettag $0x1  }
0x1: {  	s1 =	srdreg.scid  }
0x2: {  	s0 =	stileid.u32;
	s2 =	rddreg [dreg:$0x0]  }
0x3: {  	s4 =	simm.s32 $0x0;
	s11 =	simm.s32 $0x80;
	s12 =	simm.s32 $0x400  }
0x4: {  	s13 =	simm.s32 $0xC000;
	s14 =	simm.s32 $0x3;
	s15 =	simm.s32 $0x6000  }
0x5: {  	s16 =	simm.s32 $0x1;
	s17 =	simm.s32 $0xC100;
	s18 =	simm.s32 $0x2  }
0x6: {  	s19 =	simm.s32 $0xC180;
	s20 =	simm.s32 $0x0;
	s6 =	sand.u32 $0x1, s1  }
0x7: {  	s31 =	sshll.u32 s0, $0x1;
	s1 =	rddreg [dreg:$0x1];
	s7 =	sshrl.u32 s0, $0x2  }
0x8: {  	[smem:$0x7FF] =	sst s4;
	s3 =	sor.u32 s6, s31;
	s8 =	sshll.u32 s7, $0xB  }
0x9: {  	s9 =	smul.u32 $0x4800, s7;
	s6 =	ssub.s32 $0x2, s6;
	s5 =	sshll.u32 s3, $0x7  }
0xa: {  	s7 =	smul.u32 $0x30000, s7;
	s10 =	sshrl.u32 s6, $0x1;
	s5 =	sand.u32 $0x380, s5  }
0xb: {  	_ =	strace $0x80000047;
	s10 =	ssub.s32 s6, s10;
	s8 =	sor.u32 s8, s5  }
0xc: {  	s9 =	sor.u32 s9, s5;
	s7 =	sor.u32 s7, s5;
	s10 =	smax.u32 s10, $0x1  }
0xd: {  	v1 =	vlaneseq.u32;
	s8 =	sshrl.u32 s8, $0x3;
	s9 =	sshrl.u32 s9, $0x3;
	s7 =	sshrl.u32 s7, $0x3  }
0xe: {  	v2 =	vor.u32 $0x10, v1;
	s8 =	sadd.s32 s8, s2;
	s9 =	sadd.s32 s9, s2;
	s7 =	sadd.s32 s2, s7  }
0xf: {  	v0 =	vimm.s32 $0x0;
	v3 =	vor.u32 $0x20, v1;
	v4 =	vor.u32 $0x30, v1;
	s6 =	sadd.s32 $0x120000, s8;
	s8 =	sor.u32 $0xC0000, s5;
	s9 =	sadd.s32 $0x120400, s9  }
.LBB2_1:
0x10: {  	[tilespmem:s13], [sflag:$0x3] =	stream.strided.gather [hbm4b:s6+s11], $0x100, s12, s11, $0x38;
	[tilespmem:$0xCA80] =	vst v63  }
0x11: {  	_ =	swait.ge [sflag:s14], $0x100  }
0x12: {  	[sflag:s14] =	ssyncset.done $0x0  }
0x13: {  	s21 =	simm.s32 $0x0;
	[sflag:s14] =	ssyncadd.s32 $0xFFFFFF00  }
0x14: {  	[tilespmem:s4], [sflag:$0x1] =	stream.strided.gather [hbm4b:s7+s11], $0x6000, s12, s11, $0x38;
	[tilespmem:$0xCA80] =	vst v63  }
.LBB2_2:
0x15: {  	s22 =	sshll.u32 s21, $0x6  }
0x16: {  	s22 =	sor.u32 s3, s22  }
0x17: {  	s23 =	sshrl.u32 s22, $0x3  }
0x18: {  	s23 =	smul.u32 $0x30000, s23;
	_ =	sdelay $0x1  }
0x19: {  	s23 =	sadd.s32 s8, s23  }
0x1a: {  	s23 =	sshrl.u32 s23, $0x3  }
0x1b: {  	s23 =	sadd.s32 s2, s23  }
0x1c: {  	[tilespmem:s15], [sflag:$0x2] =	stream.strided.gather [hbm4b:s23+s11], $0x6000, s12, s11, $0x38;
	[tilespmem:$0xCA80] =	vst v63  }
0x1d: {  	_ =	swait.ge [sflag:s16], $0x6000  }
0x1e: {  	s31 =	sshll.u32 s21, $0x5;
	[sflag:s16] =	ssyncset.done $0x0  }
0x1f: {  	s23 =	sand.u32 $0x3FFFFFE0, s31;
	[sflag:s16] =	ssyncadd.s32 $0xFFFFA000  }
0x20: {  	v5 =	vld [tilespmem:s23+$0xC000];
	_ =	sdelay $0x2  }
0x21: {  	[tilespmem:$0xC100] =	vst v0  }
0x22: {  	[tilespmem:$0xC110] =	vst v0  }
0x23: {  	[tilespmem:$0xC120] =	vst v0;
	v6 =	vbroadcast v5, $0x0  }
0x24: {  	s24 =	simm.s32 $0x0;
	s25 =	simm.s32 $0x0;
	[tilespmem:$0xC130] =	vst v0;
	s23 =	simm.s32 $0x10;
	v7 =	vbroadcast v5, $0x1;
	v5 =	vbroadcast v5, $0x2  }
.LBB2_3:
0x25: {  	s26 =	sadd.s32 $0xFFFFFFF0, s23  }
0x26: {  	v8 =	vor.u32 s26, v1  }
0x27: {  	v9 =	vmul.u32 $0x3, v8;
	_ =	sdelay $0x1  }
0x28: {  	v10 =	vadd.s32 $0x1, v9;
	_ =	sdelay $0x1  }
0x29: {  	v11 =	vadd.s32 $0x2, v9;
	_ =	sdelay $0x1  }
0x2a: {  	v9 =	vld.idx.msk [tilespmem:v9+s4+$0x0], $0xffff  }
0x2b: {  	v10 =	vld.idx.msk [tilespmem:v10+s4+$0x0], $0xffff;
	_ =	sdelay $0x1  }
0x2c: {  	v11 =	vld.idx.msk [tilespmem:v11+s4+$0x0], $0xffff;
	_ =	sdelay $0x2  }
0x2d: {  	v9 =	vsub.f32 v9, v6;
	v10 =	vsub.f32 v10, v7;
	_ =	sdelay $0x1  }
0x2e: {  	v11 =	vsub.f32 v11, v5;
	v9 =	vmul.f32 v9, v9;
	v10 =	vmul.f32 v10, v10;
	_ =	sdelay $0x1  }
0x2f: {  	v57 =	vmul.f32 v11, v11;
	v9 =	vadd.f32 v10, v9;
	_ =	sdelay $0x1  }
0x30: {  	v9 =	vadd.f32 v57, v9;
	_ =	sdelay $0x1  }
0x31: {  	vm0 =	vlt.f32 v9, $2.500000000e-01  }
0x32: {  	v9 =	vsel vm0, $0x1, v0  }
0x33: {  	(xrf0) =	vadd.scan.msk.s32 $0xffff, v9;
	_ =	sdelay $0x2  }
0x34: {  	v58 =	vmov s25  }
0x35: {  	v9 =	vadd.s32 $0xFFFFFFFF, v58  }
0x36: {  	v9 =	vbroadcast v9, $0x0  }
0x37: {  	v59, _, _ =	vpop (xrf0)  }
0x38: {  	v9 =	vadd.s32 v59, v9  }
0x39: {  	vm1 =	vlt.s32 v9, $0x40  }
0x3a: {  	v60 =	vor.u32 s23, v1;
	vm0 =	vmand vm0, vm1  }
0x3b: {  	v12 =	vmul.u32 $0x3, v60;
	_ =	sdelay $0x1  }
0x3c: {  	v13 =	vadd.s32 $0x1, v12;
	_ =	sdelay $0x1  }
0x3d: {  	v14 =	vadd.s32 $0x2, v12  }
0x3e: {  	[tilespmem:v9+s17+$0x0] =	vst.idx.msk vm0, v8  }
0x3f: {  	v8 =	vld.idx.msk [tilespmem:v12+s4+$0x0], $0xffff  }
0x40: {  	v9 =	vld.idx.msk [tilespmem:v13+s4+$0x0], $0xffff;
	_ =	sdelay $0x1  }
0x41: {  	v61 =	vld.idx.msk [tilespmem:v14+s4+$0x0], $0xffff;
	_ =	sdelay $0x2  }
0x42: {  	v8 =	vsub.f32 v8, v6;
	v9 =	vsub.f32 v9, v7;
	_ =	sdelay $0x1  }
0x43: {  	v12 =	vsub.f32 v61, v5;
	v8 =	vmul.f32 v8, v8;
	v9 =	vmul.f32 v9, v9;
	_ =	sdelay $0x1  }
0x44: {  	v62 =	vmul.f32 v12, v12;
	v8 =	vadd.f32 v9, v8;
	_ =	sdelay $0x1  }
0x45: {  	v8 =	vadd.f32 v62, v8;
	_ =	sdelay $0x1  }
0x46: {  	vm14 =	vlt.f32 v8, $2.500000000e-01  }
0x47: {  	v8 =	vsel vm14, $0x1, v0  }
0x48: {  	(xrf0) =	vadd.scan.msk.s32 $0xffff, v8  }
0x49: {  	(v2sf) =	vpush v59, $0xF;
	_ =	sdelay $0x4  }
0x4a: {  	v8, _, _ =	vpop (xrf0)  }
0x4b: {  	(v2sf) =	vpush v8, $0xF;
	_ =	sdelay $0x8  }
0x4c: {  	s29 =	spop (v2sf)  }
0x4d: {  	s30 =	sadd.s32 s25, s29  }
0x4e: {  	v63 =	vmov s30  }
0x4f: {  	v9 =	vadd.s32 $0xFFFFFFFF, v63  }
0x50: {  	v9 =	vbroadcast v9, $0x0;
	_ =	sdelay $0x1  }
0x51: {  	v8 =	vadd.s32 v8, v9;
	s31 =	spop (v2sf)  }
0x52: {  	p0 =	sgt.u32 s24, $0x1FD;
	vm15 =	vlt.s32 v8, $0x40;
	s25 =	sadd.s32 s30, s31  }
0x53: {  	vm0 =	vmand vm14, vm15;
	p1 =	slt.s32 @!p0 s25, $0x40  }
0x54: {  	p0 =	por p0, !p1  }
.Ltmp0:
0x55: {  	_ = 	snop;
	(pc) =	sbr.rel @!p0 .LBB2_3-.Ltmp0, $2  }
0x56: {  	_ =	sdelay $0x2  }
0x57: {  	s24 =	sadd.s32 $0x2, s24;
	s23 =	sadd.s32 $0x20, s23;
	[tilespmem:v8+s17+$0x0] =	vst.idx.msk vm0, v60  }
0x58: {  	v8 =	vld [tilespmem:$0xC100];
	_ =	sdelay $0x4  }
0x59: {  	v9 =	vmov s25;
	v10 =	vbroadcast v8, $0x0  }
0x5a: {  	vm0 =	vgt.s32 v9, v1  }
0x5b: {  	v8 =	vsel vm0, v8, v10  }
0x5c: {  	v8 =	vmul.u32 $0x3, v8;
	_ =	sdelay $0x1  }
0x5d: {  	v11 =	vadd.s32 $0x1, v8  }
0x5e: {  	v12 =	vadd.s32 $0x2, v8;
	_ =	sdelay $0x2  }
0x5f: {  	v8 =	vld.idx.msk [tilespmem:v8+s4+$0x0], $0xffff  }
0x60: {  	v11 =	vld.idx.msk [tilespmem:v11+s4+$0x0], $0xffff  }
0x61: {  	v12 =	vld.idx.msk [tilespmem:v12+s4+$0x0], $0xffff;
	_ =	sdelay $0x1  }
0x62: {  	s23 =	smul.u32 $0x600, s21  }
0x63: {  	v8 =	vsub.f32 v8, v6  }
0x64: {  	s23 =	sshra.s32 s23, $0x2;
	v11 =	vsub.f32 v11, v7  }
0x65: {  	v12 =	vsub.f32 v12, v5;
	[tilespmem:s23+$0xC180] =	vst v8  }
0x66: {  	[tilespmem:s23+$0xC1C0] =	vst v11  }
0x67: {  	[tilespmem:s23+$0xC200] =	vst v12  }
0x68: {  	v8 =	vld [tilespmem:$0xC110];
	_ =	sdelay $0x3  }
0x69: {  	vm13 =	vgt.s32 v9, v2  }
0x6a: {  	v8 =	vsel vm13, v8, v10  }
0x6b: {  	v8 =	vmul.u32 $0x3, v8;
	_ =	sdelay $0x1  }
0x6c: {  	v58 =	vadd.s32 $0x1, v8  }
0x6d: {  	v59 =	vadd.s32 $0x2, v8;
	_ =	sdelay $0x2  }
0x6e: {  	v8 =	vld.idx.msk [tilespmem:v8+s4+$0x0], $0xffff  }
0x6f: {  	v11 =	vld.idx.msk [tilespmem:v58+s4+$0x0], $0xffff  }
0x70: {  	v12 =	vld.idx.msk [tilespmem:v59+s4+$0x0], $0xffff;
	_ =	sdelay $0x2  }
0x71: {  	v8 =	vsub.f32 v8, v6  }
0x72: {  	v11 =	vsub.f32 v11, v7  }
0x73: {  	v12 =	vsub.f32 v12, v5;
	[tilespmem:s23+$0xC190] =	vst v8  }
0x74: {  	[tilespmem:s23+$0xC1D0] =	vst v11  }
0x75: {  	[tilespmem:s23+$0xC210] =	vst v12  }
0x76: {  	v8 =	vld [tilespmem:$0xC120];
	_ =	sdelay $0x3  }
0x77: {  	vm14 =	vgt.s32 v9, v3  }
0x78: {  	v8 =	vsel vm14, v8, v10  }
0x79: {  	v8 =	vmul.u32 $0x3, v8;
	_ =	sdelay $0x1  }
0x7a: {  	v60 =	vadd.s32 $0x1, v8  }
0x7b: {  	v61 =	vadd.s32 $0x2, v8;
	_ =	sdelay $0x2  }
0x7c: {  	v8 =	vld.idx.msk [tilespmem:v8+s4+$0x0], $0xffff  }
0x7d: {  	v11 =	vld.idx.msk [tilespmem:v60+s4+$0x0], $0xffff  }
0x7e: {  	v12 =	vld.idx.msk [tilespmem:v61+s4+$0x0], $0xffff;
	_ =	sdelay $0x2  }
0x7f: {  	v8 =	vsub.f32 v8, v6  }
0x80: {  	v11 =	vsub.f32 v11, v7  }
0x81: {  	v12 =	vsub.f32 v12, v5;
	[tilespmem:s23+$0xC1A0] =	vst v8  }
0x82: {  	[tilespmem:s23+$0xC1E0] =	vst v11  }
0x83: {  	[tilespmem:s23+$0xC220] =	vst v12  }
0x84: {  	v8 =	vld [tilespmem:$0xC130];
	_ =	sdelay $0x3  }
0x85: {  	vm15 =	vgt.s32 v9, v4  }
0x86: {  	v8 =	vsel vm15, v8, v10  }
0x87: {  	v8 =	vmul.u32 $0x3, v8;
	_ =	sdelay $0x1  }
0x88: {  	v62 =	vadd.s32 $0x1, v8  }
0x89: {  	v63 =	vadd.s32 $0x2, v8;
	_ =	sdelay $0x2  }
0x8a: {  	v8 =	vld.idx.msk [tilespmem:v8+s4+$0x0], $0xffff  }
0x8b: {  	v9 =	vld.idx.msk [tilespmem:v62+s4+$0x0], $0xffff  }
0x8c: {  	p0 =	seq.s32 s21, $0x5;
	v10 =	vld.idx.msk [tilespmem:v63+s4+$0x0], $0xffff  }
0x8d: {  	s22 =	sshrl.u32 @!p0 s22, $0x3  }
0x8e: {  	s22 =	smul.u32 @!p0 $0x30000, s22  }
0x8f: {  	v6 =	vsub.f32 v8, v6  }
0x90: {  	s22 =	sor.u32 @!p0 s5, s22;
	v7 =	vsub.f32 v9, v7  }
0x91: {  	s22 =	sadd.s32 @!p0 $0x180000, s22;
	v5 =	vsub.f32 v10, v5;
	[tilespmem:s23+$0xC1B0] =	vst v6  }
0x92: {  	s24 =	simm.s32 @!p0 $0x400;
	s22 =	sshrl.u32 @!p0 s22, $0x3;
	[tilespmem:s23+$0xC1F0] =	vst v7  }
0x93: {  	s25 =	simm.s32 @!p0 $0x0;
	s22 =	sadd.s32 @!p0 s2, s22;
	[tilespmem:s23+$0xC230] =	vst v5;
	s23 =	simm.s32 @!p0 $0x80  }
0x94: {  	[tilespmem:s25], [sflag:$0x1] =	stream.strided.gather @!p0 [hbm4b:s22+s23], $0x6000, s24, s23, $0x38;
	[tilespmem:$0xCA80] =	vst v63  }
0x95: {  	s22 =	sshllo.u32 s21, $0x1;
	_ =	swait.ge [sflag:s18], $0x6000  }
0x96: {  	s31 =	sshll.u32 s22, $0x4;
	[sflag:s18] =	ssyncset.done $0x0  }
0x97: {  	s23 =	sand.u32 $0x3FFFFFF0, s31;
	[sflag:s18] =	ssyncadd.s32 $0xFFFFA000  }
0x98: {  	v6 =	vld [tilespmem:s23+$0xC000];
	_ =	sdelay $0x2  }
0x99: {  	[tilespmem:$0xC100] =	vst v0  }
0x9a: {  	[tilespmem:$0xC110] =	vst v0  }
0x9b: {  	[tilespmem:$0xC120] =	vst v0;
	v5 =	vbroadcast v6, $0x0  }
0x9c: {  	s24 =	simm.s32 $0x0;
	s25 =	simm.s32 $0x0;
	[tilespmem:$0xC130] =	vst v0;
	s23 =	simm.s32 $0x10;
	v7 =	vbroadcast v6, $0x1;
	v6 =	vbroadcast v6, $0x2  }
.LBB2_5:
0x9d: {  	s26 =	sadd.s32 $0xFFFFFFF0, s23  }
0x9e: {  	v8 =	vor.u32 s26, v1  }
0x9f: {  	v9 =	vmul.u32 $0x3, v8;
	_ =	sdelay $0x1  }
0xa0: {  	v10 =	vadd.s32 $0x1, v9;
	_ =	sdelay $0x1  }
0xa1: {  	v11 =	vadd.s32 $0x2, v9;
	_ =	sdelay $0x1  }
0xa2: {  	v9 =	vld.idx.msk [tilespmem:v9+s15+$0x0], $0xffff  }
0xa3: {  	v10 =	vld.idx.msk [tilespmem:v10+s15+$0x0], $0xffff;
	_ =	sdelay $0x1  }
0xa4: {  	v11 =	vld.idx.msk [tilespmem:v11+s15+$0x0], $0xffff;
	_ =	sdelay $0x2  }
0xa5: {  	v9 =	vsub.f32 v9, v5;
	v10 =	vsub.f32 v10, v7;
	_ =	sdelay $0x1  }
0xa6: {  	v11 =	vsub.f32 v11, v6;
	v9 =	vmul.f32 v9, v9;
	v10 =	vmul.f32 v10, v10;
	_ =	sdelay $0x1  }
0xa7: {  	v57 =	vmul.f32 v11, v11;
	v9 =	vadd.f32 v10, v9;
	_ =	sdelay $0x1  }
0xa8: {  	v9 =	vadd.f32 v57, v9;
	_ =	sdelay $0x1  }
0xa9: {  	vm0 =	vlt.f32 v9, $2.500000000e-01  }
0xaa: {  	v9 =	vsel vm0, $0x1, v0  }
0xab: {  	(xrf0) =	vadd.scan.msk.s32 $0xffff, v9;
	_ =	sdelay $0x2  }
0xac: {  	v58 =	vmov s25  }
0xad: {  	v9 =	vadd.s32 $0xFFFFFFFF, v58  }
0xae: {  	v9 =	vbroadcast v9, $0x0  }
0xaf: {  	v59, _, _ =	vpop (xrf0)  }
0xb0: {  	v9 =	vadd.s32 v59, v9  }
0xb1: {  	vm1 =	vlt.s32 v9, $0x40  }
0xb2: {  	v60 =	vor.u32 s23, v1;
	vm0 =	vmand vm0, vm1  }
0xb3: {  	v12 =	vmul.u32 $0x3, v60;
	_ =	sdelay $0x1  }
0xb4: {  	v13 =	vadd.s32 $0x1, v12;
	_ =	sdelay $0x1  }
0xb5: {  	v14 =	vadd.s32 $0x2, v12  }
0xb6: {  	[tilespmem:v9+s17+$0x0] =	vst.idx.msk vm0, v8  }
0xb7: {  	v8 =	vld.idx.msk [tilespmem:v12+s15+$0x0], $0xffff  }
0xb8: {  	v9 =	vld.idx.msk [tilespmem:v13+s15+$0x0], $0xffff;
	_ =	sdelay $0x1  }
0xb9: {  	v61 =	vld.idx.msk [tilespmem:v14+s15+$0x0], $0xffff;
	_ =	sdelay $0x2  }
0xba: {  	v8 =	vsub.f32 v8, v5;
	v9 =	vsub.f32 v9, v7;
	_ =	sdelay $0x1  }
0xbb: {  	v12 =	vsub.f32 v61, v6;
	v8 =	vmul.f32 v8, v8;
	v9 =	vmul.f32 v9, v9;
	_ =	sdelay $0x1  }
0xbc: {  	v62 =	vmul.f32 v12, v12;
	v8 =	vadd.f32 v9, v8;
	_ =	sdelay $0x1  }
0xbd: {  	v8 =	vadd.f32 v62, v8;
	_ =	sdelay $0x1  }
0xbe: {  	vm14 =	vlt.f32 v8, $2.500000000e-01  }
0xbf: {  	v8 =	vsel vm14, $0x1, v0  }
0xc0: {  	(xrf0) =	vadd.scan.msk.s32 $0xffff, v8  }
0xc1: {  	(v2sf) =	vpush v59, $0xF;
	_ =	sdelay $0x4  }
0xc2: {  	v8, _, _ =	vpop (xrf0)  }
0xc3: {  	(v2sf) =	vpush v8, $0xF;
	_ =	sdelay $0x8  }
0xc4: {  	s29 =	spop (v2sf)  }
0xc5: {  	s30 =	sadd.s32 s25, s29  }
0xc6: {  	v63 =	vmov s30  }
0xc7: {  	v9 =	vadd.s32 $0xFFFFFFFF, v63  }
0xc8: {  	v9 =	vbroadcast v9, $0x0;
	_ =	sdelay $0x1  }
0xc9: {  	v8 =	vadd.s32 v8, v9;
	s31 =	spop (v2sf)  }
0xca: {  	p0 =	sgt.u32 s24, $0x1FD;
	vm15 =	vlt.s32 v8, $0x40;
	s25 =	sadd.s32 s30, s31  }
0xcb: {  	vm0 =	vmand vm14, vm15;
	p1 =	slt.s32 @!p0 s25, $0x40  }
0xcc: {  	p0 =	por p0, !p1  }
.Ltmp1:
0xcd: {  	_ = 	snop;
	(pc) =	sbr.rel @!p0 .LBB2_5-.Ltmp1, $2  }
0xce: {  	_ =	sdelay $0x2  }
0xcf: {  	s24 =	sadd.s32 $0x2, s24;
	s23 =	sadd.s32 $0x20, s23;
	[tilespmem:v8+s17+$0x0] =	vst.idx.msk vm0, v60  }
0xd0: {  	v8 =	vld [tilespmem:$0xC100];
	_ =	sdelay $0x4  }
0xd1: {  	v9 =	vmov s25;
	v10 =	vbroadcast v8, $0x0  }
0xd2: {  	vm0 =	vgt.s32 v9, v1  }
0xd3: {  	v8 =	vsel vm0, v8, v10  }
0xd4: {  	v8 =	vmul.u32 $0x3, v8;
	_ =	sdelay $0x1  }
0xd5: {  	v11 =	vadd.s32 $0x1, v8  }
0xd6: {  	v12 =	vadd.s32 $0x2, v8;
	_ =	sdelay $0x2  }
0xd7: {  	v8 =	vld.idx.msk [tilespmem:v8+s15+$0x0], $0xffff  }
0xd8: {  	v11 =	vld.idx.msk [tilespmem:v11+s15+$0x0], $0xffff  }
0xd9: {  	v12 =	vld.idx.msk [tilespmem:v12+s15+$0x0], $0xffff;
	_ =	sdelay $0x2  }
0xda: {  	s22 =	smul.u32 $0xC0, s22;
	v8 =	vsub.f32 v8, v5  }
0xdb: {  	v11 =	vsub.f32 v11, v7  }
0xdc: {  	v12 =	vsub.f32 v12, v6;
	[tilespmem:s22+$0xC180] =	vst v8  }
0xdd: {  	s23 =	sand.u32 $0xF80, s22;
	[tilespmem:s22+$0xC1C0] =	vst v11  }
0xde: {  	[tilespmem:s23+$0xC240] =	vst v12  }
0xdf: {  	v8 =	vld [tilespmem:$0xC110];
	_ =	sdelay $0x3  }
0xe0: {  	vm13 =	vgt.s32 v9, v2  }
0xe1: {  	v8 =	vsel vm13, v8, v10  }
0xe2: {  	v8 =	vmul.u32 $0x3, v8;
	_ =	sdelay $0x1  }
0xe3: {  	v58 =	vadd.s32 $0x1, v8  }
0xe4: {  	v59 =	vadd.s32 $0x2, v8;
	_ =	sdelay $0x2  }
0xe5: {  	v8 =	vld.idx.msk [tilespmem:v8+s15+$0x0], $0xffff  }
0xe6: {  	v11 =	vld.idx.msk [tilespmem:v58+s15+$0x0], $0xffff  }
0xe7: {  	v12 =	vld.idx.msk [tilespmem:v59+s15+$0x0], $0xffff;
	_ =	sdelay $0x2  }
0xe8: {  	v8 =	vsub.f32 v8, v5  }
0xe9: {  	s24 =	sor.u32 $0x50, s22;
	v11 =	vsub.f32 v11, v7  }
0xea: {  	v12 =	vsub.f32 v12, v6;
	[tilespmem:s24+$0xC180] =	vst v8  }
0xeb: {  	[tilespmem:s22+$0xC1D0] =	vst v11  }
0xec: {  	[tilespmem:s23+$0xC250] =	vst v12  }
0xed: {  	v8 =	vld [tilespmem:$0xC120];
	_ =	sdelay $0x3  }
0xee: {  	vm14 =	vgt.s32 v9, v3  }
0xef: {  	v8 =	vsel vm14, v8, v10  }
0xf0: {  	v8 =	vmul.u32 $0x3, v8;
	_ =	sdelay $0x1  }
0xf1: {  	v60 =	vadd.s32 $0x1, v8  }
0xf2: {  	v61 =	vadd.s32 $0x2, v8;
	_ =	sdelay $0x2  }
0xf3: {  	v8 =	vld.idx.msk [tilespmem:v8+s15+$0x0], $0xffff  }
0xf4: {  	v11 =	vld.idx.msk [tilespmem:v60+s15+$0x0], $0xffff  }
0xf5: {  	v12 =	vld.idx.msk [tilespmem:v61+s15+$0x0], $0xffff;
	_ =	sdelay $0x2  }
0xf6: {  	v8 =	vsub.f32 v8, v5  }
0xf7: {  	s30 =	sor.u32 $0x60, s22;
	v11 =	vsub.f32 v11, v7  }
0xf8: {  	v12 =	vsub.f32 v12, v6;
	[tilespmem:s30+$0xC180] =	vst v8  }
0xf9: {  	[tilespmem:s22+$0xC1E0] =	vst v11  }
0xfa: {  	[tilespmem:s23+$0xC260] =	vst v12  }
0xfb: {  	v8 =	vld [tilespmem:$0xC130];
	_ =	sdelay $0x3  }
0xfc: {  	vm15 =	vgt.s32 v9, v4  }
0xfd: {  	v8 =	vsel vm15, v8, v10  }
0xfe: {  	v8 =	vmul.u32 $0x3, v8;
	_ =	sdelay $0x1  }
0xff: {  	v62 =	vadd.s32 $0x1, v8  }
0x100: {  	v63 =	vadd.s32 $0x2, v8;
	_ =	sdelay $0x2  }
0x101: {  	v8 =	vld.idx.msk [tilespmem:v8+s15+$0x0], $0xffff  }
0x102: {  	v9 =	vld.idx.msk [tilespmem:v62+s15+$0x0], $0xffff  }
0x103: {  	v10 =	vld.idx.msk [tilespmem:v63+s15+$0x0], $0xffff  }
0x104: {  	s21 =	sadd.s32 $0x1, s21  }
0x105: {  	p0 =	sne.s32 s21, $0x6  }
.Ltmp2:
0x106: {  	v5 =	vsub.f32 v8, v5;
	(pc) =	sbr.rel @p0 .LBB2_2-.Ltmp2, $4  }
0x107: {  	s31 =	sor.u32 $0x70, s22;
	v7 =	vsub.f32 v9, v7  }
0x108: {  	v6 =	vsub.f32 v10, v6;
	[tilespmem:s31+$0xC180] =	vst v5  }
0x109: {  	[tilespmem:s22+$0xC1F0] =	vst v7  }
0x10a: {  	[tilespmem:s23+$0xC270] =	vst v6  }
0x10b: {  	s20 =	sadd.s32 $0x1, s20  }
0x10c: {  	p0 =	sne.s32 s20, s10  }
.Ltmp3:
0x10d: {  	_ = 	snop;
	(pc) =	sbr.rel @p0 .LBB2_1-.Ltmp3, $4  }
0x10e: {  	[hbm4b:s9+s11] =	stream.strided.scatter [tilespmem:s19], [sflag:$0x3], $0x900, s12, s11, $0x38;
	[tilespmem:$0xCA80] =	vst v63  }
0x10f: {  	_ =	swait.ge [sflag:s14], $0x900  }
0x110: {  	[sflag:s14] =	ssyncset.done $0x0  }
0x111: {  	[sflag:s14] =	ssyncadd.s32 $0xFFFFF700  }
0x112: {  	_ =	sfence.sel $0x180000  }
0x113: {  	[bflag:$0x0] =	sbarrier.arrive $0xFFFF  }
0x114: {  	p0 =	sne.s32 s0, $0x0;
	_ =	strace $0x90000047  }
0x115: {  	s0 =	sadd.s32 @!p0 $0x100000, s1;
	[bflag:$0x2] =	sbarrier.arrive $0xFFFF  }
0x116: {  	[sflag:s0] =	ssyncadd.tile.s32 @!p0 $0x1;
	_ =	shalt  }
.Lfunc_end2:
_tile_overlayer_lowered:
.L_overlay_start_2:
0x117: {  	(tag) =	ssettag $0x2  }
0x118: {  	s0 =	rddreg [dreg:$0x0];
	s2 =	stileid.u32  }
0x119: {  	s1 =	rddreg [dreg:$0x1];
	p0 =	sne.s32 s2, $0x0  }
0x11a: {  	s3 =	rddreg [dreg:$0x2];
	[bflag:$0x3] =	sbarrier.arrive $0xFFFF;
	s2 =	simm.s32 @!p0 $0x1C03  }
0x11b: {  	[timem:s3], [sflag:s2] =	dma.local @!p0 [hbm:s0], s1  }
0x11c: {  	s0 =	simm.s32 @!p0 $0x3  }
0x11d: {  	_ =	swait.ge @!p0 [sflag:s0], s1  }
0x11e: {  	s1 =	ssub.s32 @!p0 $0x0, s1;
	[sflag:s0] =	ssyncset.done @!p0 $0x0  }
0x11f: {  	[sflag:s0] =	ssyncadd.s32 @!p0 s1  }
0x120: {  	[bflag:$0x3] =	sbarrier.arrive $0xFFFF  }
0x121: {  	_ =	shalt  }

</sc_bundles>
